<compile_context>
chip_gen: v7x
topology: tpu7x:2x2x1
jax: 0.10.2.dev20260603
libtpu: 0.0.44.dev20260713+nightly
codegen_flags: <defaults>
</compile_context>

<pallas_src>
import jax
import jax.numpy as jnp
from jax import lax
from jax.experimental import pallas as pl
from jax.experimental.pallas import tpu as pltpu
from jax.experimental.pallas import tpu_sc as plsc

_SHARP = 10.0
_B, _N = 16, 20000
_HALF = _N // 2
_PAD = 8
_CHUNK = _HALF + _PAD
_BUF = _HALF + 2 * _PAD
_NV = _HALF // 16


def _sc_body(pm_hbm, lt_hbm, smooth_hbm, mask_hbm, pv_hbm,
             xbuf, sbuf, mbuf, pbuf, ltv, sem_s, sem_m, sem_p):
    row = lax.axis_index("s")
    half = lax.axis_index("c")
    c0 = half * _HALF
    src = half * (_HALF - _PAD)
    dst = _PAD - half * _PAD

    pltpu.sync_copy(lt_hbm, ltv)
    pltpu.sync_copy(pm_hbm.at[row, pl.ds(src, _CHUNK)], xbuf.at[pl.ds(dst, _CHUNK)])

    lanes = lax.broadcasted_iota(jnp.int32, (16,), 0)
    hv = jnp.full((16,), half, jnp.int32)
    edge_src = jnp.where(hv == 0, _PAD, _BUF - _PAD - 1)
    edge_dst = jnp.where(hv == 0, _PAD - 2, _BUF - _PAD) + lanes
    edge = plsc.load_gather(xbuf, [edge_src])
    plsc.store_scatter(xbuf, [edge_dst], edge, mask=lanes < 2)

    lt = ltv[...]
    thresh = 1.0 / (1.0 + jnp.exp(-lt))

    def body(i, carry):
        b = i * 16
        xm2 = xbuf[pl.ds(b + _PAD - 2, 16)]
        xm1 = xbuf[pl.ds(b + _PAD - 1, 16)]
        x = xbuf[pl.ds(b + _PAD, 16)]
        xp1 = xbuf[pl.ds(b + _PAD + 1, 16)]
        xp2 = xbuf[pl.ds(b + _PAD + 2, 16)]
        pooled = jnp.maximum(
            jnp.maximum(jnp.maximum(xm2, xm1), jnp.maximum(xp1, xp2)), x)
        ea = jnp.exp(_SHARP * (thresh - x))
        eb = jnp.exp(_SHARP * (pooled - x))
        smooth = x / ((1.0 + ea) * (1.0 + eb))
        m = smooth >= thresh
        sbuf[pl.ds(b, 16)] = smooth
        mbuf[pl.ds(b, 16)] = jnp.where(m, 1, 0)
        pbuf[pl.ds(b, 16)] = jnp.where(m, x, 0.0)
        return carry

    hc = _HALF // 2
    hv2 = _NV // 2

    lax.fori_loop(0, hv2, body, 0)
    cp_s0 = pltpu.async_copy(sbuf.at[pl.ds(0, hc)],
                             smooth_hbm.at[row, pl.ds(c0, hc)], sem_s)
    cp_m0 = pltpu.async_copy(mbuf.at[pl.ds(0, hc)],
                             mask_hbm.at[row, pl.ds(c0, hc)], sem_m)
    cp_p0 = pltpu.async_copy(pbuf.at[pl.ds(0, hc)],
                             pv_hbm.at[row, pl.ds(c0, hc)], sem_p)

    lax.fori_loop(hv2, _NV, body, 0)
    cp_s0.wait()
    cp_m0.wait()
    cp_p0.wait()
    pltpu.sync_copy(sbuf.at[pl.ds(hc, hc)], smooth_hbm.at[row, pl.ds(c0 + hc, hc)])
    pltpu.sync_copy(mbuf.at[pl.ds(hc, hc)], mask_hbm.at[row, pl.ds(c0 + hc, hc)])
    pltpu.sync_copy(pbuf.at[pl.ds(hc, hc)], pv_hbm.at[row, pl.ds(c0 + hc, hc)])


def kernel(peak_map, logit_thresh):
    lt = jnp.full((16,), logit_thresh, jnp.float32)
    f = pl.kernel(
        _sc_body,
        out_type=[
            jax.ShapeDtypeStruct((_B, _N), jnp.float32),
            jax.ShapeDtypeStruct((_B, _N), jnp.int32),
            jax.ShapeDtypeStruct((_B, _N), jnp.float32),
        ],
        mesh=plsc.VectorSubcoreMesh(core_axis_name="c", subcore_axis_name="s"),
        compiler_params=pltpu.CompilerParams(
            use_tc_tiling_on_sc=False, needs_layout_passes=False),
        scratch_types=[
            pltpu.VMEM((_BUF,), jnp.float32),
            pltpu.VMEM((_HALF,), jnp.float32),
            pltpu.VMEM((_HALF,), jnp.int32),
            pltpu.VMEM((_HALF,), jnp.float32),
            pltpu.VMEM((16,), jnp.float32),
            pltpu.SemaphoreType.DMA,
            pltpu.SemaphoreType.DMA,
            pltpu.SemaphoreType.DMA,
        ],
    )
    smooth, m_i32, pv = f(peak_map, lt)
    return (smooth, m_i32.astype(jnp.bool_), pv)

# --- scband reference (transcript-rebuilt; emitter-appended) ---
"""Pipeline reference for scband-learnable-peak-extractor-17987323035999 (READ-ONLY COPY).

The authoritative reference and input builder live on the scoring server;
editing this copy changes nothing except your own understanding.
"""

import jax, jax.numpy as jnp
import numpy as np

MIN_DISTANCE = 2
SHARPNESS = 10.0
INIT_THRESH = 0.1


def setup_inputs(seed: int = 0) -> dict:
    key = jax.random.key(seed)
    peak_map = jax.random.uniform(key, (16, 20000), dtype=jnp.float32)
    # learned parameter: logit of the initial threshold
    logit_thresh = jnp.asarray(np.log(INIT_THRESH / (1.0 - INIT_THRESH)), dtype=jnp.float32)
    return {"peak_map": peak_map, "logit_thresh": logit_thresh}


def reference(peak_map, logit_thresh):
    md = MIN_DISTANCE
    thresh = jax.nn.sigmoid(logit_thresh)
    gate = jax.nn.sigmoid(SHARPNESS * (peak_map - thresh))
    # replicate ('edge') padding followed by sliding-window max == F.max_pool1d on replicate-padded input
    padded = jnp.pad(peak_map, ((0, 0), (md, md)), mode='edge')
    pooled = jax.lax.reduce_window(
        padded,
        -jnp.inf,
        jax.lax.max,
        window_dimensions=(1, 2 * md + 1),
        window_strides=(1, 1),
        padding='VALID',
    )
    local_mask = jax.nn.sigmoid(SHARPNESS * (peak_map - pooled))
    smooth_peaks = peak_map * gate * local_mask
    # torch version returns variable-length index/value lists per sample;
    # here we return the equivalent dense boolean mask and masked values
    # (jit-friendly fixed-shape encoding of the same information)
    mask = smooth_peaks >= thresh
    peak_values = jnp.where(mask, peak_map, 0.0)
    return (smooth_peaks, mask, peak_values)

if __name__ == "__main__":
    import jax
    _d = setup_inputs()
    print(jax.jit(kernel)(*tuple(_d.values())))

</pallas_src>

<mosaic_0001>
#map = affine_map<(d0, d1) -> (0, 0)>
#map1 = affine_map<(d0, d1) -> (0)>
module attributes {stable_mosaic.version = 14 : i64} {
  func.func @_sc_body(%arg0: i32, %arg1: i32, %arg2: memref<16x20000xf32, #tpu.memory_space<hbm>>, %arg3: memref<16xf32, #tpu.memory_space<hbm>>, %arg4: memref<16x20000xf32, #tpu.memory_space<hbm>>, %arg5: memref<16x20000xi32, #tpu.memory_space<hbm>>, %arg6: memref<16x20000xf32, #tpu.memory_space<hbm>>, %arg7: memref<10016xf32, #tpu.memory_space<vmem>>, %arg8: memref<10000xf32, #tpu.memory_space<vmem>>, %arg9: memref<10000xi32, #tpu.memory_space<vmem>>, %arg10: memref<10000xf32, #tpu.memory_space<vmem>>, %arg11: memref<16xf32, #tpu.memory_space<vmem>>, %arg12: memref<!tpu.dma_semaphore, #tpu.memory_space<semaphore_mem>>, %arg13: memref<!tpu.dma_semaphore, #tpu.memory_space<semaphore_mem>>, %arg14: memref<!tpu.dma_semaphore, #tpu.memory_space<semaphore_mem>>) attributes {dimension_semantics = [#tpu.dimension_semantics<core_parallel>, #tpu.dimension_semantics<subcore_parallel>], iteration_bounds = array<i64: 2, 16>, scalar_prefetch = 0 : i64, scratch_operands = 8 : i64, tpu.core_type = #tpu.core_type<sc_vector_subcore>, window_params = [{transform_indices = #map}, {transform_indices = #map1}, {transform_indices = #map}, {transform_indices = #map}, {transform_indices = #map}]} {
    %mul3A = arith.constant 10000 : i32
    %mul3A_0 = arith.muli %arg0, %mul3A : i32
    %mul3A_1 = arith.constant 9992 : i32
    %mul3A_2 = arith.muli %arg0, %mul3A_1 : i32
    %mul3A_3 = arith.constant 8 : i32
    %mul3A_4 = arith.muli %arg0, %mul3A_3 : i32
    %sub3A = arith.constant 8 : i32
    %sub3A_5 = arith.subi %sub3A, %mul3A_4 : i32
    "tpu.region"() ({
      %run_scoped3A = tpu.sem_alloc : memref<!tpu.dma_semaphore, #tpu.memory_space<semaphore_mem>>
      tpu.enqueue_dma source(%arg3 : memref<16xf32, #tpu.memory_space<hbm>>) target(%arg11 : memref<16xf32, #tpu.memory_space<vmem>>) target_semaphore(%run_scoped3A : memref<!tpu.dma_semaphore, #tpu.memory_space<semaphore_mem>>)
      tpu.wait_dma2 semaphore(%run_scoped3A : memref<!tpu.dma_semaphore, #tpu.memory_space<semaphore_mem>>) src(%arg3 : memref<16xf32, #tpu.memory_space<hbm>>) dst(%arg11 : memref<16xf32, #tpu.memory_space<vmem>>)
      tpu.yield
    }) : () -> ()
    "tpu.region"() ({
      %run_scoped3A = tpu.sem_alloc : memref<!tpu.dma_semaphore, #tpu.memory_space<semaphore_mem>>
      %dma_start3A_92 = tpu.memref_slice %arg7[%sub3A_5] : memref<10016xf32, #tpu.memory_space<vmem>> -> memref<10008xf32, #tpu.memory_space<vmem>>
      %dma_start3A_93 = tpu.memref_slice %arg2[%arg1, %mul3A_2] : memref<16x20000xf32, #tpu.memory_space<hbm>> -> memref<1x10008xf32, #tpu.memory_space<hbm>>
      %dma_start3A_94 = tpu.memref_squeeze %dma_start3A_93 : memref<1x10008xf32, #tpu.memory_space<hbm>> -> memref<10008xf32, #tpu.memory_space<hbm>>
      %dma_start3A_95 = tpu.memref_slice %arg7[%sub3A_5] : memref<10016xf32, #tpu.memory_space<vmem>> -> memref<10008xf32, #tpu.memory_space<vmem>>
      %dma_start3A_96 = tpu.memref_slice %arg2[%arg1, %mul3A_2] : memref<16x20000xf32, #tpu.memory_space<hbm>> -> memref<1x10008xf32, #tpu.memory_space<hbm>>
      %dma_start3A_97 = tpu.memref_squeeze %dma_start3A_96 : memref<1x10008xf32, #tpu.memory_space<hbm>> -> memref<10008xf32, #tpu.memory_space<hbm>>
      tpu.enqueue_dma source(%dma_start3A_97 : memref<10008xf32, #tpu.memory_space<hbm>>) target(%dma_start3A_95 : memref<10008xf32, #tpu.memory_space<vmem>>) target_semaphore(%run_scoped3A : memref<!tpu.dma_semaphore, #tpu.memory_space<semaphore_mem>>)
      %dma_wait3A_98 = tpu.memref_slice %arg7[%sub3A_5] : memref<10016xf32, #tpu.memory_space<vmem>> -> memref<10008xf32, #tpu.memory_space<vmem>>
      %dma_wait3A_99 = tpu.memref_slice %arg2[%arg1, %mul3A_2] : memref<16x20000xf32, #tpu.memory_space<hbm>> -> memref<1x10008xf32, #tpu.memory_space<hbm>>
      %dma_wait3A_100 = tpu.memref_squeeze %dma_wait3A_99 : memref<1x10008xf32, #tpu.memory_space<hbm>> -> memref<10008xf32, #tpu.memory_space<hbm>>
      %dma_wait3A_101 = tpu.memref_slice %arg7[%sub3A_5] : memref<10016xf32, #tpu.memory_space<vmem>> -> memref<10008xf32, #tpu.memory_space<vmem>>
      %dma_wait3A_102 = tpu.memref_slice %arg2[%arg1, %mul3A_2] : memref<16x20000xf32, #tpu.memory_space<hbm>> -> memref<1x10008xf32, #tpu.memory_space<hbm>>
      %dma_wait3A_103 = tpu.memref_squeeze %dma_wait3A_102 : memref<1x10008xf32, #tpu.memory_space<hbm>> -> memref<10008xf32, #tpu.memory_space<hbm>>
      tpu.wait_dma2 semaphore(%run_scoped3A : memref<!tpu.dma_semaphore, #tpu.memory_space<semaphore_mem>>) src(%dma_wait3A_103 : memref<10008xf32, #tpu.memory_space<hbm>>) dst(%dma_wait3A_101 : memref<10008xf32, #tpu.memory_space<vmem>>)
      tpu.yield
    }) : () -> ()
    %iota3A = tpu.iota {dimensions = array<i32: 0>} : vector<16xi32>
    %broadcast_in_dim3A = vector.broadcast %arg0 : i32 to vector<16xi32>
    %eq3A = arith.constant 0 : i32
    %eq3A_6 = vector.broadcast %eq3A : i32 to vector<16xi32>
    %eq3A_7 = arith.cmpi eq, %broadcast_in_dim3A, %eq3A_6 : vector<16xi32>
    %jit3A = arith.constant 8 : i32
    %jit3A_8 = arith.constant 10007 : i32
    %broadcast_in_dim3A_9 = vector.broadcast %jit3A : i32 to vector<16xi32>
    %broadcast_in_dim3A_10 = vector.broadcast %jit3A_8 : i32 to vector<16xi32>
    %select_n3A = arith.select %eq3A_7, %broadcast_in_dim3A_9, %broadcast_in_dim3A_10 : vector<16xi1>, vector<16xi32>
    %eq3A_11 = arith.constant 0 : i32
    %eq3A_12 = vector.broadcast %eq3A_11 : i32 to vector<16xi32>
    %eq3A_13 = arith.cmpi eq, %broadcast_in_dim3A, %eq3A_12 : vector<16xi32>
    %jit3A_14 = arith.constant 6 : i32
    %jit3A_15 = arith.constant 10008 : i32
    %broadcast_in_dim3A_16 = vector.broadcast %jit3A_14 : i32 to vector<16xi32>
    %broadcast_in_dim3A_17 = vector.broadcast %jit3A_15 : i32 to vector<16xi32>
    %select_n3A_18 = arith.select %eq3A_13, %broadcast_in_dim3A_16, %broadcast_in_dim3A_17 : vector<16xi1>, vector<16xi32>
    %add3A = arith.addi %select_n3A_18, %iota3A : vector<16xi32>
    %gather3A = tpu.vector_load_idx %arg7[%select_n3A] : memref<10016xf32, #tpu.memory_space<vmem>>[vector<16xi32>], vector<16xf32>,
    %lt3A = arith.constant 2 : i32
    %lt3A_19 = vector.broadcast %lt3A : i32 to vector<16xi32>
    %lt3A_20 = arith.cmpi slt, %iota3A, %lt3A_19 : vector<16xi32>
    tpu.vector_store_idx %arg7[%add3A], %gather3A masked %lt3A_20 : memref<10016xf32, #tpu.memory_space<vmem>>[vector<16xi32>], vector<16xf32>, vector<16xi1>
    %get3A = arith.constant 0 : index
    %get3A_21 = tpu.vector_load %arg11[%get3A] {strides = array<i32>} : memref<16xf32, #tpu.memory_space<vmem>>, vector<16xf32>,
    %neg3A = arith.constant 0.000000e+00 : f32
    %neg3A_22 = vector.broadcast %neg3A : f32 to vector<16xf32>
    %neg3A_23 = arith.subf %neg3A_22, %get3A_21 : vector<16xf32>
    %exp3A = math.exp %neg3A_23 : vector<16xf32>
    %add3A_24 = arith.constant 1.000000e+00 : f32
    %add3A_25 = vector.broadcast %add3A_24 : f32 to vector<16xf32>
    %add3A_26 = arith.addf %add3A_25, %exp3A : vector<16xf32>
    %div3A = arith.constant 1.000000e+00 : f32
    %div3A_27 = vector.broadcast %div3A : f32 to vector<16xf32>
    %div3A_28 = arith.divf %div3A_27, %add3A_26 : vector<16xf32>
    %scan3A = arith.constant 0 : i32
    %scan3A_29 = arith.constant 0 : i32
    %scan3A_30 = arith.constant 312 : i32
    %scan3A_31 = arith.addi %scan3A_29, %scan3A_30 : i32
    %scan3A_32 = arith.constant 1 : i32
    scf.for %scan3A_92 = %scan3A_29 to %scan3A_31 step %scan3A_32  : i32 {
      %mul3A_93 = arith.constant 16 : i32
      %mul3A_94 = arith.muli %scan3A_92, %mul3A_93 : i32
      %add3A_95 = arith.constant 8 : i32
      %add3A_96 = arith.addi %mul3A_94, %add3A_95 : i32
      %sub3A_97 = arith.constant 2 : i32
      %sub3A_98 = arith.subi %add3A_96, %sub3A_97 : i32
      %get3A_99 = arith.index_cast %sub3A_98 : i32 to index
      %get3A_100 = tpu.vector_load %arg7[%get3A_99] {strides = array<i32>} : memref<10016xf32, #tpu.memory_space<vmem>>, vector<16xf32>,
      %add3A_101 = arith.constant 8 : i32
      %add3A_102 = arith.addi %mul3A_94, %add3A_101 : i32
      %sub3A_103 = arith.constant 1 : i32
      %sub3A_104 = arith.subi %add3A_102, %sub3A_103 : i32
      %get3A_105 = arith.index_cast %sub3A_104 : i32 to index
      %get3A_106 = tpu.vector_load %arg7[%get3A_105] {strides = array<i32>} : memref<10016xf32, #tpu.memory_space<vmem>>, vector<16xf32>,
      %add3A_107 = arith.constant 8 : i32
      %add3A_108 = arith.addi %mul3A_94, %add3A_107 : i32
      %get3A_109 = arith.index_cast %add3A_108 : i32 to index
      %get3A_110 = tpu.vector_load %arg7[%get3A_109] {strides = array<i32>} : memref<10016xf32, #tpu.memory_space<vmem>>, vector<16xf32>,
      %add3A_111 = arith.constant 8 : i32
      %add3A_112 = arith.addi %mul3A_94, %add3A_111 : i32
      %add3A_113 = arith.constant 1 : i32
      %add3A_114 = arith.addi %add3A_112, %add3A_113 : i32
      %get3A_115 = arith.index_cast %add3A_114 : i32 to index
      %get3A_116 = tpu.vector_load %arg7[%get3A_115] {strides = array<i32>} : memref<10016xf32, #tpu.memory_space<vmem>>, vector<16xf32>,
      %add3A_117 = arith.constant 8 : i32
      %add3A_118 = arith.addi %mul3A_94, %add3A_117 : i32
      %add3A_119 = arith.constant 2 : i32
      %add3A_120 = arith.addi %add3A_118, %add3A_119 : i32
      %get3A_121 = arith.index_cast %add3A_120 : i32 to index
      %get3A_122 = tpu.vector_load %arg7[%get3A_121] {strides = array<i32>} : memref<10016xf32, #tpu.memory_space<vmem>>, vector<16xf32>,
      %max3A = arith.maximumf %get3A_100, %get3A_106 : vector<16xf32>
      %max3A_123 = arith.maximumf %get3A_116, %get3A_122 : vector<16xf32>
      %max3A_124 = arith.maximumf %max3A, %max3A_123 : vector<16xf32>
      %max3A_125 = arith.maximumf %max3A_124, %get3A_110 : vector<16xf32>
      %sub3A_126 = arith.subf %div3A_28, %get3A_110 : vector<16xf32>
      %mul3A_127 = arith.constant 1.000000e+01 : f32
      %mul3A_128 = vector.broadcast %mul3A_127 : f32 to vector<16xf32>
      %mul3A_129 = arith.mulf %mul3A_128, %sub3A_126 : vector<16xf32>
      %exp3A_130 = math.exp %mul3A_129 : vector<16xf32>
      %sub3A_131 = arith.subf %max3A_125, %get3A_110 : vector<16xf32>
      %mul3A_132 = arith.constant 1.000000e+01 : f32
      %mul3A_133 = vector.broadcast %mul3A_132 : f32 to vector<16xf32>
      %mul3A_134 = arith.mulf %mul3A_133, %sub3A_131 : vector<16xf32>
      %exp3A_135 = math.exp %mul3A_134 : vector<16xf32>
      %add3A_136 = arith.constant 1.000000e+00 : f32
      %add3A_137 = vector.broadcast %add3A_136 : f32 to vector<16xf32>
      %add3A_138 = arith.addf %add3A_137, %exp3A_130 : vector<16xf32>
      %add3A_139 = arith.constant 1.000000e+00 : f32
      %add3A_140 = vector.broadcast %add3A_139 : f32 to vector<16xf32>
      %add3A_141 = arith.addf %add3A_140, %exp3A_135 : vector<16xf32>
      %mul3A_142 = arith.mulf %add3A_138, %add3A_141 : vector<16xf32>
      %div3A_143 = arith.divf %get3A_110, %mul3A_142 : vector<16xf32>
      %ge3A = arith.cmpf oge, %div3A_143, %div3A_28 : vector<16xf32>
      %swap3A = arith.index_cast %mul3A_94 : i32 to index
      %swap3A_144 = tpu.vector_load %arg8[%swap3A] {strides = array<i32>} : memref<10000xf32, #tpu.memory_space<vmem>>, vector<16xf32>,
      tpu.vector_store %arg8[%swap3A], %div3A_143 {strides = array<i32>} : memref<10000xf32, #tpu.memory_space<vmem>>, vector<16xf32>,
      %jit3A_145 = arith.constant 1 : i32
      %jit3A_146 = arith.constant 0 : i32
      %broadcast_in_dim3A_147 = vector.broadcast %jit3A_145 : i32 to vector<16xi32>
      %broadcast_in_dim3A_148 = vector.broadcast %jit3A_146 : i32 to vector<16xi32>
      %select_n3A_149 = arith.select %ge3A, %broadcast_in_dim3A_147, %broadcast_in_dim3A_148 : vector<16xi1>, vector<16xi32>
      %swap3A_150 = arith.index_cast %mul3A_94 : i32 to index
      %swap3A_151 = tpu.vector_load %arg9[%swap3A_150] {strides = array<i32>} : memref<10000xi32, #tpu.memory_space<vmem>>, vector<16xi32>,
      tpu.vector_store %arg9[%swap3A_150], %select_n3A_149 {strides = array<i32>} : memref<10000xi32, #tpu.memory_space<vmem>>, vector<16xi32>,
      %jit3A_152 = arith.constant 0.000000e+00 : f32
      %broadcast_in_dim3A_153 = vector.broadcast %jit3A_152 : f32 to vector<16xf32>
      %select_n3A_154 = arith.select %ge3A, %get3A_110, %broadcast_in_dim3A_153 : vector<16xi1>, vector<16xf32>
      %swap3A_155 = arith.index_cast %mul3A_94 : i32 to index
      %swap3A_156 = tpu.vector_load %arg10[%swap3A_155] {strides = array<i32>} : memref<10000xf32, #tpu.memory_space<vmem>>, vector<16xf32>,
      tpu.vector_store %arg10[%swap3A_155], %select_n3A_154 {strides = array<i32>} : memref<10000xf32, #tpu.memory_space<vmem>>, vector<16xf32>,
    }
    %scan3A_33 = arith.constant 312 : i32
    %dma_start3A = arith.constant 0 : i32
    %dma_start3A_34 = tpu.memref_slice %arg8[%dma_start3A] : memref<10000xf32, #tpu.memory_space<vmem>> -> memref<5000xf32, #tpu.memory_space<vmem>>
    %dma_start3A_35 = tpu.memref_slice %arg4[%arg1, %mul3A_0] : memref<16x20000xf32, #tpu.memory_space<hbm>> -> memref<1x5000xf32, #tpu.memory_space<hbm>>
    %dma_start3A_36 = tpu.memref_squeeze %dma_start3A_35 : memref<1x5000xf32, #tpu.memory_space<hbm>> -> memref<5000xf32, #tpu.memory_space<hbm>>
    %dma_start3A_37 = tpu.memref_slice %arg4[%arg1, %mul3A_0] : memref<16x20000xf32, #tpu.memory_space<hbm>> -> memref<1x5000xf32, #tpu.memory_space<hbm>>
    %dma_start3A_38 = tpu.memref_squeeze %dma_start3A_37 : memref<1x5000xf32, #tpu.memory_space<hbm>> -> memref<5000xf32, #tpu.memory_space<hbm>>
    %dma_start3A_39 = arith.constant 0 : i32
    %dma_start3A_40 = tpu.memref_slice %arg8[%dma_start3A_39] : memref<10000xf32, #tpu.memory_space<vmem>> -> memref<5000xf32, #tpu.memory_space<vmem>>
    tpu.enqueue_dma source(%dma_start3A_40 : memref<5000xf32, #tpu.memory_space<vmem>>) target(%dma_start3A_38 : memref<5000xf32, #tpu.memory_space<hbm>>) target_semaphore(%arg12 : memref<!tpu.dma_semaphore, #tpu.memory_space<semaphore_mem>>)
    %dma_start3A_41 = arith.constant 0 : i32
    %dma_start3A_42 = tpu.memref_slice %arg9[%dma_start3A_41] : memref<10000xi32, #tpu.memory_space<vmem>> -> memref<5000xi32, #tpu.memory_space<vmem>>
    %dma_start3A_43 = tpu.memref_slice %arg5[%arg1, %mul3A_0] : memref<16x20000xi32, #tpu.memory_space<hbm>> -> memref<1x5000xi32, #tpu.memory_space<hbm>>
    %dma_start3A_44 = tpu.memref_squeeze %dma_start3A_43 : memref<1x5000xi32, #tpu.memory_space<hbm>> -> memref<5000xi32, #tpu.memory_space<hbm>>
    %dma_start3A_45 = tpu.memref_slice %arg5[%arg1, %mul3A_0] : memref<16x20000xi32, #tpu.memory_space<hbm>> -> memref<1x5000xi32, #tpu.memory_space<hbm>>
    %dma_start3A_46 = tpu.memref_squeeze %dma_start3A_45 : memref<1x5000xi32, #tpu.memory_space<hbm>> -> memref<5000xi32, #tpu.memory_space<hbm>>
    %dma_start3A_47 = arith.constant 0 : i32
    %dma_start3A_48 = tpu.memref_slice %arg9[%dma_start3A_47] : memref<10000xi32, #tpu.memory_space<vmem>> -> memref<5000xi32, #tpu.memory_space<vmem>>
    tpu.enqueue_dma source(%dma_start3A_48 : memref<5000xi32, #tpu.memory_space<vmem>>) target(%dma_start3A_46 : memref<5000xi32, #tpu.memory_space<hbm>>) target_semaphore(%arg13 : memref<!tpu.dma_semaphore, #tpu.memory_space<semaphore_mem>>)
    %dma_start3A_49 = arith.constant 0 : i32
    %dma_start3A_50 = tpu.memref_slice %arg10[%dma_start3A_49] : memref<10000xf32, #tpu.memory_space<vmem>> -> memref<5000xf32, #tpu.memory_space<vmem>>
    %dma_start3A_51 = tpu.memref_slice %arg6[%arg1, %mul3A_0] : memref<16x20000xf32, #tpu.memory_space<hbm>> -> memref<1x5000xf32, #tpu.memory_space<hbm>>
    %dma_start3A_52 = tpu.memref_squeeze %dma_start3A_51 : memref<1x5000xf32, #tpu.memory_space<hbm>> -> memref<5000xf32, #tpu.memory_space<hbm>>
    %dma_start3A_53 = tpu.memref_slice %arg6[%arg1, %mul3A_0] : memref<16x20000xf32, #tpu.memory_space<hbm>> -> memref<1x5000xf32, #tpu.memory_space<hbm>>
    %dma_start3A_54 = tpu.memref_squeeze %dma_start3A_53 : memref<1x5000xf32, #tpu.memory_space<hbm>> -> memref<5000xf32, #tpu.memory_space<hbm>>
    %dma_start3A_55 = arith.constant 0 : i32
    %dma_start3A_56 = tpu.memref_slice %arg10[%dma_start3A_55] : memref<10000xf32, #tpu.memory_space<vmem>> -> memref<5000xf32, #tpu.memory_space<vmem>>
    tpu.enqueue_dma source(%dma_start3A_56 : memref<5000xf32, #tpu.memory_space<vmem>>) target(%dma_start3A_54 : memref<5000xf32, #tpu.memory_space<hbm>>) target_semaphore(%arg14 : memref<!tpu.dma_semaphore, #tpu.memory_space<semaphore_mem>>)
    %scan3A_57 = arith.constant 0 : i32
    %scan3A_58 = arith.constant 312 : i32
    %scan3A_59 = arith.constant 313 : i32
    %scan3A_60 = arith.addi %scan3A_58, %scan3A_59 : i32
    %scan3A_61 = arith.constant 1 : i32
    scf.for %scan3A_92 = %scan3A_58 to %scan3A_60 step %scan3A_61  : i32 {
      %mul3A_93 = arith.constant 16 : i32
      %mul3A_94 = arith.muli %scan3A_92, %mul3A_93 : i32
      %add3A_95 = arith.constant 8 : i32
      %add3A_96 = arith.addi %mul3A_94, %add3A_95 : i32
      %sub3A_97 = arith.constant 2 : i32
      %sub3A_98 = arith.subi %add3A_96, %sub3A_97 : i32
      %get3A_99 = arith.index_cast %sub3A_98 : i32 to index
      %get3A_100 = tpu.vector_load %arg7[%get3A_99] {strides = array<i32>} : memref<10016xf32, #tpu.memory_space<vmem>>, vector<16xf32>,
      %add3A_101 = arith.constant 8 : i32
      %add3A_102 = arith.addi %mul3A_94, %add3A_101 : i32
      %sub3A_103 = arith.constant 1 : i32
      %sub3A_104 = arith.subi %add3A_102, %sub3A_103 : i32
      %get3A_105 = arith.index_cast %sub3A_104 : i32 to index
      %get3A_106 = tpu.vector_load %arg7[%get3A_105] {strides = array<i32>} : memref<10016xf32, #tpu.memory_space<vmem>>, vector<16xf32>,
      %add3A_107 = arith.constant 8 : i32
      %add3A_108 = arith.addi %mul3A_94, %add3A_107 : i32
      %get3A_109 = arith.index_cast %add3A_108 : i32 to index
      %get3A_110 = tpu.vector_load %arg7[%get3A_109] {strides = array<i32>} : memref<10016xf32, #tpu.memory_space<vmem>>, vector<16xf32>,
      %add3A_111 = arith.constant 8 : i32
      %add3A_112 = arith.addi %mul3A_94, %add3A_111 : i32
      %add3A_113 = arith.constant 1 : i32
      %add3A_114 = arith.addi %add3A_112, %add3A_113 : i32
      %get3A_115 = arith.index_cast %add3A_114 : i32 to index
      %get3A_116 = tpu.vector_load %arg7[%get3A_115] {strides = array<i32>} : memref<10016xf32, #tpu.memory_space<vmem>>, vector<16xf32>,
      %add3A_117 = arith.constant 8 : i32
      %add3A_118 = arith.addi %mul3A_94, %add3A_117 : i32
      %add3A_119 = arith.constant 2 : i32
      %add3A_120 = arith.addi %add3A_118, %add3A_119 : i32
      %get3A_121 = arith.index_cast %add3A_120 : i32 to index
      %get3A_122 = tpu.vector_load %arg7[%get3A_121] {strides = array<i32>} : memref<10016xf32, #tpu.memory_space<vmem>>, vector<16xf32>,
      %max3A = arith.maximumf %get3A_100, %get3A_106 : vector<16xf32>
      %max3A_123 = arith.maximumf %get3A_116, %get3A_122 : vector<16xf32>
      %max3A_124 = arith.maximumf %max3A, %max3A_123 : vector<16xf32>
      %max3A_125 = arith.maximumf %max3A_124, %get3A_110 : vector<16xf32>
      %sub3A_126 = arith.subf %div3A_28, %get3A_110 : vector<16xf32>
      %mul3A_127 = arith.constant 1.000000e+01 : f32
      %mul3A_128 = vector.broadcast %mul3A_127 : f32 to vector<16xf32>
      %mul3A_129 = arith.mulf %mul3A_128, %sub3A_126 : vector<16xf32>
      %exp3A_130 = math.exp %mul3A_129 : vector<16xf32>
      %sub3A_131 = arith.subf %max3A_125, %get3A_110 : vector<16xf32>
      %mul3A_132 = arith.constant 1.000000e+01 : f32
      %mul3A_133 = vector.broadcast %mul3A_132 : f32 to vector<16xf32>
      %mul3A_134 = arith.mulf %mul3A_133, %sub3A_131 : vector<16xf32>
      %exp3A_135 = math.exp %mul3A_134 : vector<16xf32>
      %add3A_136 = arith.constant 1.000000e+00 : f32
      %add3A_137 = vector.broadcast %add3A_136 : f32 to vector<16xf32>
      %add3A_138 = arith.addf %add3A_137, %exp3A_130 : vector<16xf32>
      %add3A_139 = arith.constant 1.000000e+00 : f32
      %add3A_140 = vector.broadcast %add3A_139 : f32 to vector<16xf32>
      %add3A_141 = arith.addf %add3A_140, %exp3A_135 : vector<16xf32>
      %mul3A_142 = arith.mulf %add3A_138, %add3A_141 : vector<16xf32>
      %div3A_143 = arith.divf %get3A_110, %mul3A_142 : vector<16xf32>
      %ge3A = arith.cmpf oge, %div3A_143, %div3A_28 : vector<16xf32>
      %swap3A = arith.index_cast %mul3A_94 : i32 to index
      %swap3A_144 = tpu.vector_load %arg8[%swap3A] {strides = array<i32>} : memref<10000xf32, #tpu.memory_space<vmem>>, vector<16xf32>,
      tpu.vector_store %arg8[%swap3A], %div3A_143 {strides = array<i32>} : memref<10000xf32, #tpu.memory_space<vmem>>, vector<16xf32>,
      %jit3A_145 = arith.constant 1 : i32
      %jit3A_146 = arith.constant 0 : i32
      %broadcast_in_dim3A_147 = vector.broadcast %jit3A_145 : i32 to vector<16xi32>
      %broadcast_in_dim3A_148 = vector.broadcast %jit3A_146 : i32 to vector<16xi32>
      %select_n3A_149 = arith.select %ge3A, %broadcast_in_dim3A_147, %broadcast_in_dim3A_148 : vector<16xi1>, vector<16xi32>
      %swap3A_150 = arith.index_cast %mul3A_94 : i32 to index
      %swap3A_151 = tpu.vector_load %arg9[%swap3A_150] {strides = array<i32>} : memref<10000xi32, #tpu.memory_space<vmem>>, vector<16xi32>,
      tpu.vector_store %arg9[%swap3A_150], %select_n3A_149 {strides = array<i32>} : memref<10000xi32, #tpu.memory_space<vmem>>, vector<16xi32>,
      %jit3A_152 = arith.constant 0.000000e+00 : f32
      %broadcast_in_dim3A_153 = vector.broadcast %jit3A_152 : f32 to vector<16xf32>
      %select_n3A_154 = arith.select %ge3A, %get3A_110, %broadcast_in_dim3A_153 : vector<16xi1>, vector<16xf32>
      %swap3A_155 = arith.index_cast %mul3A_94 : i32 to index
      %swap3A_156 = tpu.vector_load %arg10[%swap3A_155] {strides = array<i32>} : memref<10000xf32, #tpu.memory_space<vmem>>, vector<16xf32>,
      tpu.vector_store %arg10[%swap3A_155], %select_n3A_154 {strides = array<i32>} : memref<10000xf32, #tpu.memory_space<vmem>>, vector<16xf32>,
    }
    %scan3A_62 = arith.constant 313 : i32
    %dma_wait3A = arith.constant 0 : i32
    %dma_wait3A_63 = tpu.memref_slice %arg8[%dma_wait3A] : memref<10000xf32, #tpu.memory_space<vmem>> -> memref<5000xf32, #tpu.memory_space<vmem>>
    %dma_wait3A_64 = tpu.memref_slice %arg4[%arg1, %mul3A_0] : memref<16x20000xf32, #tpu.memory_space<hbm>> -> memref<1x5000xf32, #tpu.memory_space<hbm>>
    %dma_wait3A_65 = tpu.memref_squeeze %dma_wait3A_64 : memref<1x5000xf32, #tpu.memory_space<hbm>> -> memref<5000xf32, #tpu.memory_space<hbm>>
    %dma_wait3A_66 = tpu.memref_slice %arg4[%arg1, %mul3A_0] : memref<16x20000xf32, #tpu.memory_space<hbm>> -> memref<1x5000xf32, #tpu.memory_space<hbm>>
    %dma_wait3A_67 = tpu.memref_squeeze %dma_wait3A_66 : memref<1x5000xf32, #tpu.memory_space<hbm>> -> memref<5000xf32, #tpu.memory_space<hbm>>
    %dma_wait3A_68 = arith.constant 0 : i32
    %dma_wait3A_69 = tpu.memref_slice %arg8[%dma_wait3A_68] : memref<10000xf32, #tpu.memory_space<vmem>> -> memref<5000xf32, #tpu.memory_space<vmem>>
    tpu.wait_dma2 semaphore(%arg12 : memref<!tpu.dma_semaphore, #tpu.memory_space<semaphore_mem>>) src(%dma_wait3A_69 : memref<5000xf32, #tpu.memory_space<vmem>>) dst(%dma_wait3A_67 : memref<5000xf32, #tpu.memory_space<hbm>>)
    %dma_wait3A_70 = arith.constant 0 : i32
    %dma_wait3A_71 = tpu.memref_slice %arg9[%dma_wait3A_70] : memref<10000xi32, #tpu.memory_space<vmem>> -> memref<5000xi32, #tpu.memory_space<vmem>>
    %dma_wait3A_72 = tpu.memref_slice %arg5[%arg1, %mul3A_0] : memref<16x20000xi32, #tpu.memory_space<hbm>> -> memref<1x5000xi32, #tpu.memory_space<hbm>>
    %dma_wait3A_73 = tpu.memref_squeeze %dma_wait3A_72 : memref<1x5000xi32, #tpu.memory_space<hbm>> -> memref<5000xi32, #tpu.memory_space<hbm>>
    %dma_wait3A_74 = tpu.memref_slice %arg5[%arg1, %mul3A_0] : memref<16x20000xi32, #tpu.memory_space<hbm>> -> memref<1x5000xi32, #tpu.memory_space<hbm>>
    %dma_wait3A_75 = tpu.memref_squeeze %dma_wait3A_74 : memref<1x5000xi32, #tpu.memory_space<hbm>> -> memref<5000xi32, #tpu.memory_space<hbm>>
    %dma_wait3A_76 = arith.constant 0 : i32
    %dma_wait3A_77 = tpu.memref_slice %arg9[%dma_wait3A_76] : memref<10000xi32, #tpu.memory_space<vmem>> -> memref<5000xi32, #tpu.memory_space<vmem>>
    tpu.wait_dma2 semaphore(%arg13 : memref<!tpu.dma_semaphore, #tpu.memory_space<semaphore_mem>>) src(%dma_wait3A_77 : memref<5000xi32, #tpu.memory_space<vmem>>) dst(%dma_wait3A_75 : memref<5000xi32, #tpu.memory_space<hbm>>)
    %dma_wait3A_78 = arith.constant 0 : i32
    %dma_wait3A_79 = tpu.memref_slice %arg10[%dma_wait3A_78] : memref<10000xf32, #tpu.memory_space<vmem>> -> memref<5000xf32, #tpu.memory_space<vmem>>
    %dma_wait3A_80 = tpu.memref_slice %arg6[%arg1, %mul3A_0] : memref<16x20000xf32, #tpu.memory_space<hbm>> -> memref<1x5000xf32, #tpu.memory_space<hbm>>
    %dma_wait3A_81 = tpu.memref_squeeze %dma_wait3A_80 : memref<1x5000xf32, #tpu.memory_space<hbm>> -> memref<5000xf32, #tpu.memory_space<hbm>>
    %dma_wait3A_82 = tpu.memref_slice %arg6[%arg1, %mul3A_0] : memref<16x20000xf32, #tpu.memory_space<hbm>> -> memref<1x5000xf32, #tpu.memory_space<hbm>>
    %dma_wait3A_83 = tpu.memref_squeeze %dma_wait3A_82 : memref<1x5000xf32, #tpu.memory_space<hbm>> -> memref<5000xf32, #tpu.memory_space<hbm>>
    %dma_wait3A_84 = arith.constant 0 : i32
    %dma_wait3A_85 = tpu.memref_slice %arg10[%dma_wait3A_84] : memref<10000xf32, #tpu.memory_space<vmem>> -> memref<5000xf32, #tpu.memory_space<vmem>>
    tpu.wait_dma2 semaphore(%arg14 : memref<!tpu.dma_semaphore, #tpu.memory_space<semaphore_mem>>) src(%dma_wait3A_85 : memref<5000xf32, #tpu.memory_space<vmem>>) dst(%dma_wait3A_83 : memref<5000xf32, #tpu.memory_space<hbm>>)
    %add3A_86 = arith.constant 5000 : i32
    %add3A_87 = arith.addi %mul3A_0, %add3A_86 : i32
    "tpu.region"() ({
      %run_scoped3A = tpu.sem_alloc : memref<!tpu.dma_semaphore, #tpu.memory_space<semaphore_mem>>
      %dma_start3A_92 = arith.constant 5000 : i32
      %dma_start3A_93 = tpu.memref_slice %arg8[%dma_start3A_92] : memref<10000xf32, #tpu.memory_space<vmem>> -> memref<5000xf32, #tpu.memory_space<vmem>>
      %dma_start3A_94 = tpu.memref_slice %arg4[%arg1, %add3A_87] : memref<16x20000xf32, #tpu.memory_space<hbm>> -> memref<1x5000xf32, #tpu.memory_space<hbm>>
      %dma_start3A_95 = tpu.memref_squeeze %dma_start3A_94 : memref<1x5000xf32, #tpu.memory_space<hbm>> -> memref<5000xf32, #tpu.memory_space<hbm>>
      %dma_start3A_96 = tpu.memref_slice %arg4[%arg1, %add3A_87] : memref<16x20000xf32, #tpu.memory_space<hbm>> -> memref<1x5000xf32, #tpu.memory_space<hbm>>
      %dma_start3A_97 = tpu.memref_squeeze %dma_start3A_96 : memref<1x5000xf32, #tpu.memory_space<hbm>> -> memref<5000xf32, #tpu.memory_space<hbm>>
      %dma_start3A_98 = arith.constant 5000 : i32
      %dma_start3A_99 = tpu.memref_slice %arg8[%dma_start3A_98] : memref<10000xf32, #tpu.memory_space<vmem>> -> memref<5000xf32, #tpu.memory_space<vmem>>
      tpu.enqueue_dma source(%dma_start3A_99 : memref<5000xf32, #tpu.memory_space<vmem>>) target(%dma_start3A_97 : memref<5000xf32, #tpu.memory_space<hbm>>) target_semaphore(%run_scoped3A : memref<!tpu.dma_semaphore, #tpu.memory_space<semaphore_mem>>)
      %dma_wait3A_100 = arith.constant 5000 : i32
      %dma_wait3A_101 = tpu.memref_slice %arg8[%dma_wait3A_100] : memref<10000xf32, #tpu.memory_space<vmem>> -> memref<5000xf32, #tpu.memory_space<vmem>>
      %dma_wait3A_102 = tpu.memref_slice %arg4[%arg1, %add3A_87] : memref<16x20000xf32, #tpu.memory_space<hbm>> -> memref<1x5000xf32, #tpu.memory_space<hbm>>
      %dma_wait3A_103 = tpu.memref_squeeze %dma_wait3A_102 : memref<1x5000xf32, #tpu.memory_space<hbm>> -> memref<5000xf32, #tpu.memory_space<hbm>>
      %dma_wait3A_104 = tpu.memref_slice %arg4[%arg1, %add3A_87] : memref<16x20000xf32, #tpu.memory_space<hbm>> -> memref<1x5000xf32, #tpu.memory_space<hbm>>
      %dma_wait3A_105 = tpu.memref_squeeze %dma_wait3A_104 : memref<1x5000xf32, #tpu.memory_space<hbm>> -> memref<5000xf32, #tpu.memory_space<hbm>>
      %dma_wait3A_106 = arith.constant 5000 : i32
      %dma_wait3A_107 = tpu.memref_slice %arg8[%dma_wait3A_106] : memref<10000xf32, #tpu.memory_space<vmem>> -> memref<5000xf32, #tpu.memory_space<vmem>>
      tpu.wait_dma2 semaphore(%run_scoped3A : memref<!tpu.dma_semaphore, #tpu.memory_space<semaphore_mem>>) src(%dma_wait3A_107 : memref<5000xf32, #tpu.memory_space<vmem>>) dst(%dma_wait3A_105 : memref<5000xf32, #tpu.memory_space<hbm>>)
      tpu.yield
    }) : () -> ()
    %add3A_88 = arith.constant 5000 : i32
    %add3A_89 = arith.addi %mul3A_0, %add3A_88 : i32
    "tpu.region"() ({
      %run_scoped3A = tpu.sem_alloc : memref<!tpu.dma_semaphore, #tpu.memory_space<semaphore_mem>>
      %dma_start3A_92 = arith.constant 5000 : i32
      %dma_start3A_93 = tpu.memref_slice %arg9[%dma_start3A_92] : memref<10000xi32, #tpu.memory_space<vmem>> -> memref<5000xi32, #tpu.memory_space<vmem>>
      %dma_start3A_94 = tpu.memref_slice %arg5[%arg1, %add3A_89] : memref<16x20000xi32, #tpu.memory_space<hbm>> -> memref<1x5000xi32, #tpu.memory_space<hbm>>
      %dma_start3A_95 = tpu.memref_squeeze %dma_start3A_94 : memref<1x5000xi32, #tpu.memory_space<hbm>> -> memref<5000xi32, #tpu.memory_space<hbm>>
      %dma_start3A_96 = tpu.memref_slice %arg5[%arg1, %add3A_89] : memref<16x20000xi32, #tpu.memory_space<hbm>> -> memref<1x5000xi32, #tpu.memory_space<hbm>>
      %dma_start3A_97 = tpu.memref_squeeze %dma_start3A_96 : memref<1x5000xi32, #tpu.memory_space<hbm>> -> memref<5000xi32, #tpu.memory_space<hbm>>
      %dma_start3A_98 = arith.constant 5000 : i32
      %dma_start3A_99 = tpu.memref_slice %arg9[%dma_start3A_98] : memref<10000xi32, #tpu.memory_space<vmem>> -> memref<5000xi32, #tpu.memory_space<vmem>>
      tpu.enqueue_dma source(%dma_start3A_99 : memref<5000xi32, #tpu.memory_space<vmem>>) target(%dma_start3A_97 : memref<5000xi32, #tpu.memory_space<hbm>>) target_semaphore(%run_scoped3A : memref<!tpu.dma_semaphore, #tpu.memory_space<semaphore_mem>>)
      %dma_wait3A_100 = arith.constant 5000 : i32
      %dma_wait3A_101 = tpu.memref_slice %arg9[%dma_wait3A_100] : memref<10000xi32, #tpu.memory_space<vmem>> -> memref<5000xi32, #tpu.memory_space<vmem>>
      %dma_wait3A_102 = tpu.memref_slice %arg5[%arg1, %add3A_89] : memref<16x20000xi32, #tpu.memory_space<hbm>> -> memref<1x5000xi32, #tpu.memory_space<hbm>>
      %dma_wait3A_103 = tpu.memref_squeeze %dma_wait3A_102 : memref<1x5000xi32, #tpu.memory_space<hbm>> -> memref<5000xi32, #tpu.memory_space<hbm>>
      %dma_wait3A_104 = tpu.memref_slice %arg5[%arg1, %add3A_89] : memref<16x20000xi32, #tpu.memory_space<hbm>> -> memref<1x5000xi32, #tpu.memory_space<hbm>>
      %dma_wait3A_105 = tpu.memref_squeeze %dma_wait3A_104 : memref<1x5000xi32, #tpu.memory_space<hbm>> -> memref<5000xi32, #tpu.memory_space<hbm>>
      %dma_wait3A_106 = arith.constant 5000 : i32
      %dma_wait3A_107 = tpu.memref_slice %arg9[%dma_wait3A_106] : memref<10000xi32, #tpu.memory_space<vmem>> -> memref<5000xi32, #tpu.memory_space<vmem>>
      tpu.wait_dma2 semaphore(%run_scoped3A : memref<!tpu.dma_semaphore, #tpu.memory_space<semaphore_mem>>) src(%dma_wait3A_107 : memref<5000xi32, #tpu.memory_space<vmem>>) dst(%dma_wait3A_105 : memref<5000xi32, #tpu.memory_space<hbm>>)
      tpu.yield
    }) : () -> ()
    %add3A_90 = arith.constant 5000 : i32
    %add3A_91 = arith.addi %mul3A_0, %add3A_90 : i32
    "tpu.region"() ({
      %run_scoped3A = tpu.sem_alloc : memref<!tpu.dma_semaphore, #tpu.memory_space<semaphore_mem>>
      %dma_start3A_92 = arith.constant 5000 : i32
      %dma_start3A_93 = tpu.memref_slice %arg10[%dma_start3A_92] : memref<10000xf32, #tpu.memory_space<vmem>> -> memref<5000xf32, #tpu.memory_space<vmem>>
      %dma_start3A_94 = tpu.memref_slice %arg6[%arg1, %add3A_91] : memref<16x20000xf32, #tpu.memory_space<hbm>> -> memref<1x5000xf32, #tpu.memory_space<hbm>>
      %dma_start3A_95 = tpu.memref_squeeze %dma_start3A_94 : memref<1x5000xf32, #tpu.memory_space<hbm>> -> memref<5000xf32, #tpu.memory_space<hbm>>
      %dma_start3A_96 = tpu.memref_slice %arg6[%arg1, %add3A_91] : memref<16x20000xf32, #tpu.memory_space<hbm>> -> memref<1x5000xf32, #tpu.memory_space<hbm>>
      %dma_start3A_97 = tpu.memref_squeeze %dma_start3A_96 : memref<1x5000xf32, #tpu.memory_space<hbm>> -> memref<5000xf32, #tpu.memory_space<hbm>>
      %dma_start3A_98 = arith.constant 5000 : i32
      %dma_start3A_99 = tpu.memref_slice %arg10[%dma_start3A_98] : memref<10000xf32, #tpu.memory_space<vmem>> -> memref<5000xf32, #tpu.memory_space<vmem>>
      tpu.enqueue_dma source(%dma_start3A_99 : memref<5000xf32, #tpu.memory_space<vmem>>) target(%dma_start3A_97 : memref<5000xf32, #tpu.memory_space<hbm>>) target_semaphore(%run_scoped3A : memref<!tpu.dma_semaphore, #tpu.memory_space<semaphore_mem>>)
      %dma_wait3A_100 = arith.constant 5000 : i32
      %dma_wait3A_101 = tpu.memref_slice %arg10[%dma_wait3A_100] : memref<10000xf32, #tpu.memory_space<vmem>> -> memref<5000xf32, #tpu.memory_space<vmem>>
      %dma_wait3A_102 = tpu.memref_slice %arg6[%arg1, %add3A_91] : memref<16x20000xf32, #tpu.memory_space<hbm>> -> memref<1x5000xf32, #tpu.memory_space<hbm>>
      %dma_wait3A_103 = tpu.memref_squeeze %dma_wait3A_102 : memref<1x5000xf32, #tpu.memory_space<hbm>> -> memref<5000xf32, #tpu.memory_space<hbm>>
      %dma_wait3A_104 = tpu.memref_slice %arg6[%arg1, %add3A_91] : memref<16x20000xf32, #tpu.memory_space<hbm>> -> memref<1x5000xf32, #tpu.memory_space<hbm>>
      %dma_wait3A_105 = tpu.memref_squeeze %dma_wait3A_104 : memref<1x5000xf32, #tpu.memory_space<hbm>> -> memref<5000xf32, #tpu.memory_space<hbm>>
      %dma_wait3A_106 = arith.constant 5000 : i32
      %dma_wait3A_107 = tpu.memref_slice %arg10[%dma_wait3A_106] : memref<10000xf32, #tpu.memory_space<vmem>> -> memref<5000xf32, #tpu.memory_space<vmem>>
      tpu.wait_dma2 semaphore(%run_scoped3A : memref<!tpu.dma_semaphore, #tpu.memory_space<semaphore_mem>>) src(%dma_wait3A_107 : memref<5000xf32, #tpu.memory_space<vmem>>) dst(%dma_wait3A_105 : memref<5000xf32, #tpu.memory_space<hbm>>)
      tpu.yield
    }) : () -> ()
    return
  }
}

</mosaic_0001>

<sc_bundles>
// kernel: kernel.3.cloned.1.call-start
scs
__scs_entry_jumppad:
0x0: {  	(pc) =	sbr.rel $0x88, $3  }
0x1: {  	(tag) =	ssettag $0x0;
	lr =	simm.s32 $0x1  }
0x2: {  	[smem:$0x3F9F] =	sst lr;
	_ =	strace $0xD0000000  }
0x3: {  	_ = 	snop  }
0x4: {  	_ = 	snop  }
0x5: {  	_ = 	snop  }
0x6: {  	_ = 	snop  }
0x7: {  	_ = 	snop  }
__scs_overlays_trampoline_lowered:
0x8: {  	[smem:$0x3FAE] =	sst s0  }
0x9: {  	[smem:$0x3FAF] =	sst s1  }
0xa: {  	[smem:$0x3FB0] =	sst s2  }
0xb: {  	[smem:$0x3FB1] =	sst s3  }
0xc: {  	[smem:$0x3FB2] =	sst s4  }
0xd: {  	[smem:$0x3FB3] =	sst s5  }
0xe: {  	[smem:$0x3FB4] =	sst s6  }
0xf: {  	[smem:$0x3FB5] =	sst s7  }
0x10: {  	[smem:$0x3FB6] =	sst s8  }
0x11: {  	[smem:$0x3FB7] =	sst s9;
	s0 =	simm.s32 @!p0 $0x0  }
0x12: {  	s1 =	sld [smem:$0x3F9D];
	s0 =	simm.s32 @p0 $0x1  }
0x13: {  	[smem:$0x3FB8] =	sst s0;
	s0 =	simm.s32 @!p1 $0x0  }
0x14: {  	s2 =	sld [smem:$0x3F9C];
	s0 =	simm.s32 @p1 $0x1  }
0x15: {  	[smem:$0x3FB9] =	sst s0;
	s0 =	simm.s32 @!p2 $0x0  }
0x16: {  	s3 =	sld [smem:$0x3FDB];
	s0 =	simm.s32 @p2 $0x1  }
0x17: {  	s4 =	simm.s32 $0x1BF5;
	[smem:$0x3FBB] =	sst s0  }
0x18: {  	s0 =	sld [smem:$0x3F9E];
	_ =	swait.ge [sflag:s4], $0x0  }
0x19: {  	s7 =	sld [smem:$0x3F9F]  }
0x1a: {  	s8 =	sadd.s32 $0xFFFFE003, lr  }
0x1b: {  	s9 =	sadd.s32 $0xFFFFFEF7, lr;
	s5 =	simm.s32 $0xFFFFFFFF;
	p2 =	slt.u32 s8, $0xFFFFF086  }
0x1c: {  	p1 =	slt.u32 s9, $0xF7A;
	s5 =	simm.s32 @!p2 $0x0  }
0x1d: {  	s5 =	simm.s32 @p1 $0x1;
	p0 =	seq.s32 s7, s2  }
0x1e: {  	s7 =	smul.u32 @!p0 $0xF7A, s2;
	p2 =	seq.s32 @!p0 s5, $0x0  }
0x1f: {  	s9 =	smul.u32 $0xF7A, s1;
	s8 =	simm.s32 @!p0 $0x1BF5;
	p2 =	por !p2, p0  }
0x20: {  	[sflag:s8] =	ssyncset.s32 @!p0 $0xFFFFF086;
	s6 =	sadd.s32 @!p0 s3, s7;
	s7 =	simm.s32 @!p0 $0x108  }
0x21: {  	s3 =	sadd.s32 s3, s9;
	s6 =	sadd.s32 @!p0 $0x88, s6;
	s7 =	simm.s32 @p2 $0x1082  }
0x22: {  	[simem:s7], [sflag:s8] =	dma.local @!p0 [hbm:s6], $0xF7A  }
0x23: {  	s9 =	sor.u32 $0xD0000000, s2;
	s6 =	simm.s32 $0x108;
	_ =	swait.ge @!p0 [sflag:s8], $0x0  }
0x24: {  	s3 =	sadd.s32 $0x88, s3;
	s6 =	simm.s32 @!p1 $0x1082;
	[sflag:s4] =	ssyncset.s32 $0xFFFFF086  }
0x25: {  	[simem:s6], [sflag:s4] =	dma.local [hbm:s3], $0xF7A  }
0x26: {  	[smem:$0x3F9F] =	sst s1;
	(tag) =	ssettag s2;
	_ =	strace s9  }
0x27: {  	s1 =	sld [smem:$0x3FAF]  }
0x28: {  	s2 =	sld [smem:$0x3FB0]  }
0x29: {  	s4 =	sld [smem:$0x3FB2]  }
0x2a: {  	p0 =	seq.s32 s5, $0x0;
	s5 =	sld [smem:$0x3FB3]  }
0x2b: {  	s6 =	sld [smem:$0x3FB4]  }
0x2c: {  	s7 =	sld [smem:$0x3FB5]  }
0x2d: {  	s3 =	simm.s32 $0x108;
	s8 =	sld [smem:$0x3FB6]  }
0x2e: {  	s3 =	simm.s32 @!p0 $0x1082;
	s9 =	sld [smem:$0x3FB7]  }
0x2f: {  	lr =	sadd.s32 s0, s3;
	s0 =	sld [smem:$0x3FAE]  }
0x30: {  	s3 =	sld [smem:$0x3FB1]  }
0x31: {  	[smem:$0x3FBA] =	sst s10  }
0x32: {  	s10 =	sld [smem:$0x3FB8];
	_ =	sdelay $0x3  }
0x33: {  	p0 =	seq.s32 s10, $0x1;
	s10 =	sld [smem:$0x3FBA];
	_ =	sdelay $0x3  }
0x34: {  	[smem:$0x3FBA] =	sst s10  }
0x35: {  	s10 =	sld [smem:$0x3FB9];
	_ =	sdelay $0x3  }
0x36: {  	p1 =	seq.s32 s10, $0x1;
	s10 =	sld [smem:$0x3FBA];
	_ =	sdelay $0x3  }
0x37: {  	[smem:$0x3FBA] =	sst s10  }
0x38: {  	s10 =	sld [smem:$0x3FBB]  }
0x39: {  	_ = 	snop;
	(pc) =	sbr.ind lr, $3  }
0x3a: {  	_ = 	snop  }
0x3b: {  	_ = 	snop  }
0x3c: {  	p2 =	seq.s32 s10, $0x1;
	s10 =	sld [smem:$0x3FBA]  }
0x3d: {  	_ =	shalt  }
0x3e: {  	_ =	shalt  }
0x3f: {  	_ =	shalt  }
0x40: {  	_ =	shalt  }
0x41: {  	_ =	shalt  }
0x42: {  	_ =	shalt  }
0x43: {  	_ =	shalt  }
0x44: {  	_ =	shalt  }
0x45: {  	_ =	shalt  }
0x46: {  	_ =	shalt  }
0x47: {  	_ =	shalt  }
0x48: {  	_ =	shalt  }
0x49: {  	_ =	shalt  }
0x4a: {  	_ =	shalt  }
0x4b: {  	_ =	shalt  }
0x4c: {  	_ =	shalt  }
0x4d: {  	_ =	shalt  }
0x4e: {  	_ =	shalt  }
0x4f: {  	_ =	shalt  }
0x50: {  	_ =	shalt  }
0x51: {  	_ =	shalt  }
0x52: {  	_ =	shalt  }
0x53: {  	_ =	shalt  }
0x54: {  	_ =	shalt  }
0x55: {  	_ =	shalt  }
0x56: {  	_ =	shalt  }
0x57: {  	_ =	shalt  }
0x58: {  	_ =	shalt  }
0x59: {  	_ =	shalt  }
0x5a: {  	_ =	shalt  }
0x5b: {  	_ =	shalt  }
0x5c: {  	_ =	shalt  }
0x5d: {  	_ =	shalt  }
0x5e: {  	_ =	shalt  }
0x5f: {  	_ =	shalt  }
0x60: {  	_ =	shalt  }
0x61: {  	_ =	shalt  }
0x62: {  	_ =	shalt  }
0x63: {  	_ =	shalt  }
0x64: {  	_ =	shalt  }
0x65: {  	_ =	shalt  }
0x66: {  	_ =	shalt  }
0x67: {  	_ =	shalt  }
0x68: {  	_ =	shalt  }
0x69: {  	_ =	shalt  }
0x6a: {  	_ =	shalt  }
0x6b: {  	_ =	shalt  }
0x6c: {  	_ =	shalt  }
0x6d: {  	_ =	shalt  }
0x6e: {  	_ =	shalt  }
0x6f: {  	_ =	shalt  }
0x70: {  	_ =	shalt  }
0x71: {  	_ =	shalt  }
0x72: {  	_ =	shalt  }
0x73: {  	_ =	shalt  }
0x74: {  	_ =	shalt  }
0x75: {  	_ =	shalt  }
0x76: {  	_ =	shalt  }
0x77: {  	_ =	shalt  }
0x78: {  	_ =	shalt  }
0x79: {  	_ =	shalt  }
0x7a: {  	_ =	shalt  }
0x7b: {  	_ =	shalt  }
0x7c: {  	_ =	shalt  }
0x7d: {  	_ =	shalt  }
0x7e: {  	_ =	shalt  }
0x7f: {  	_ =	shalt  }
0x80: {  	_ =	shalt  }
0x81: {  	_ =	shalt  }
0x82: {  	_ =	shalt  }
0x83: {  	_ =	shalt  }
0x84: {  	_ =	shalt  }
0x85: {  	_ =	shalt  }
0x86: {  	_ =	shalt  }
0x87: {  	_ =	shalt  }
.Lfunc_end0:
.L_simem_size_0:
called_computation_lowered:
.L_overlay_start_0:
0x88: {  	s2 =	sld [smem:$0x3FD9]  }
0x89: {  	s3 =	sld [smem:$0x3FFE];
	_ =	sdelay $0x1  }
0x8a: {  	s1 =	srdreg.scid  }
0x8b: {  	s0 =	sand.u32 $0x1, s1  }
0x8c: {  	s14 =	sshll.u32 s0, $0xA;
	s2 =	sadd.s32 s3, s2  }
0x8d: {  	s2 =	sadd.s32 s2, s14  }
0x8e: {  	[smem:$0x3FC6] =	sst s2  }
0x8f: {  	_ = 	snop  }
0x90: {  	s2 =	sld [smem:$0x3FD0];
	_ =	sdelay $0x2  }
0x91: {  	s15 =	simm.s32 $0xA;
	s4 =	simm.s32 $0x10  }
0x92: {  	[smem:s4], [sflag:s15] =	dma.local [hbm:s2], $0x1  }
0x93: {  	_ =	swait.eq [sflag:s15], $0x1  }
0x94: {  	s16 =	sld [smem:$0x10];
	[sflag:s15] =	ssyncset.done $0x0  }
0x95: {  	s17 =	sld [smem:$0x11];
	[sflag:s15] =	ssyncadd.s32 $0xFFFFFFFF  }
0x96: {  	s18 =	sld [smem:$0x12];
	(tm) =	ssettm $0x1  }
0x97: {  	s5 =	sld [smem:$0x3FFB];
	_ =	sdelay $0x3  }
0x98: {  	_ =	strace s5  }
0x99: {  	s5 =	sld [smem:$0x3FFC];
	_ =	sdelay $0x3  }
0x9a: {  	_ =	strace s5  }
0x9b: {  	s5 =	sld [smem:$0x3FFD];
	_ =	sdelay $0x3  }
0x9c: {  	_ =	strace s5  }
0x9d: {  	_ =	strace $0x8FFFFFFF  }
0x9e: {  	s19 =	sld [smem:$0x3FDB];
	_ =	sdelay $0x1  }
0x9f: {  	s6 =	simm.s32 $_scs_section_size  }
0xa0: {  	s7 =	simm.s32 $_size__tile_overlayer_lowered;
	s8 =	simm.s32 $_tile_overlayer_lowered  }
0xa1: {  	s22 =	simm.s32 $0x1BFF;
	s21 =	sshll.u32 s8, $0x1;
	s5 =	sadd.s32 s6, s19  }
0xa2: {  	s9 =	simm.s32 $0x0;
	s20 =	sshll.u32 s7, $0x1;
	s7 =	sadd.s32 s21, s5  }
0xa3: {  	[timem:s9], [sflag:s22] =	dma.local [hbm:s7], s20  }
0xa4: {  	_ =	swait.ge [sflag:s22], s20  }
0xa5: {  	s6 =	ssub.s32 $0x0, s20;
	[sflag:s22] =	ssyncset.done $0x0  }
0xa6: {  	[sflag:s22] =	ssyncadd.s32 s6;
	_ =	sdelay $0x1  }
0xa7: {  	s23 =	simm.s32 $0x1B8B  }
0xa8: {  	_ =	swait.ge [sflag:s23], $0x1  }
0xa9: {  	[sflag:s23] =	ssyncset.done $0x0  }
0xaa: {  	s25 =	simm.s32 $0x1B8E;
	s24 =	sld [smem:$0x3FFE];
	[sflag:s23] =	ssyncadd.s32 $0xFFFFFFFF  }
0xab: {  	s26 =	simm.s32 $execute0_lowered;
	[smem:$0x3FD2] =	sst s25  }
0xac: {  	s7 =	sshll.u32 s26, $0x1;
	_ =	strace $0x80000046;
	[dreg:$0x1] =	wrdreg $0xFFFFFFFF  }
0xad: {  	s28 =	simm.s32 $_size_execute0_lowered;
	s5 =	sadd.s32 s5, s7;
	[dreg:$0x0] =	wrdreg $0x0  }
0xae: {  	s7 =	sshll.u32 s28, $0x1;
	[dreg:$0x2] =	wrdreg s5  }
0xaf: {  	[dreg:$0x3] =	wrdreg s7  }
0xb0: {  	[dreg:$0x4] =	wrdreg $0xC0  }
0xb1: {  	_ =	task [dreg:s9], $0x5FFFF  }
0xb2: {  	[dreg:$0x1] =	wrdreg $0xFFFFFFFF  }
0xb3: {  	[dreg:$0x0] =	wrdreg $0x60  }
0xb4: {  	[dreg:$0x2] =	wrdreg s18  }
0xb5: {  	[dreg:$0x3] =	wrdreg s17  }
0xb6: {  	[dreg:$0x4] =	wrdreg s16  }
0xb7: {  	[dreg:$0x5] =	wrdreg s24  }
0xb8: {  	[dreg:$0x6] =	wrdreg $0x9  }
0xb9: {  	_ =	task.clear_ibuf [dreg:s9], $0x7FFFF;
	_ =	strace $0x90000046  }
0xba: {  	s29 =	simm.s32 $0x9;
	_ =	strace $0x80000048  }
0xbb: {  	_ =	swait.ge [sflag:s29], $0x1  }
0xbc: {  	[sflag:s29] =	ssyncadd.s32 $0xFFFFFFFF  }
0xbd: {  	_ =	strace $0x90000048  }
0xbe: {  	_ =	sfence  }
0xbf: {  	s30 =	sld [smem:$0x0];
	_ =	sdelay $0x2  }
0xc0: {  	s31 =	sshll.u32 s1, $0xD;
	s1 =	sshrl.u32 s1, $0x2  }
0xc1: {  	s3 =	sand.u32 $0x4000, s31;
	s1 =	sadd.s32 s1, s30  }
0xc2: {  	s0 =	sor.u32 s3, s0;
	s1 =	sshll.u32 s1, $0x11  }
0xc3: {  	s0 =	sor.u32 s1, s0  }
0xc4: {  	s0 =	sadd.s32 $0x8F2B, s0  }
0xc5: {  	[sflag:s0] =	ssyncadd.remote.s32 $0x1  }
0xc6: {  	_ =	sfence.sel $0xFFFF  }
0xc7: {  	[dreg:$0x0] =	wrdreg $0xFFFFFFFF;
	(pc) =	sbr.abs _section_cstart, $3  }
0xc8: {  	[dreg:$0x1] =	wrdreg $0xFFFFFFFF  }
0xc9: {  	_ =	task.clear_ibuf [dreg:s9], $0x2FFFF;
	_ =	strace $0x9FFFFFFF  }
0xca: {  	(tm) =	ssettm $0x7FFFFFFF  }
0xcb: {  	_ =	shalt  }
tec
execute0_lowered:
.L_overlay_start_1:
0x0: {  	(tag) =	ssettag $0x1  }
0x1: {  	s0 =	rddreg [dreg:$0x0]  }
0x2: {  	s2 =	rddreg [dreg:$0x2]  }
0x3: {  	s4 =	rddreg [dreg:$0x3];
	s3 =	simm.s32 $0x0  }
0x4: {  	s5 =	srdreg.scid;
	s1 =	stileid.u32;
	s14 =	simm.s32 $0x4  }
0x5: {  	s15 =	simm.s32 $0x2720;
	s16 =	simm.s32 $0x4E30;
	s17 =	simm.s32 $0x7540  }
0x6: {  	s18 =	simm.s32 $0x1;
	s19 =	simm.s32 $0x2;
	s20 =	simm.s32 $0x3  }
0x7: {  	s21 =	simm.s32 $0x3AA8;
	s22 =	simm.s32 $0x61B8;
	s23 =	simm.s32 $0x88C8  }
0x8: {  	[smem:$0x7FF] =	sst s3;
	s6 =	sand.u32 $0x1, s5;
	s24 =	smul.u32 $0x4E20, s1  }
0x9: {  	s10 =	sadd.s32 $0xC00, s4;
	s11 =	sadd.s32 $0xAA00, s4;
	s8 =	smul.u32 $0x2708, s6  }
0xa: {  	_ =	strace $0x80000047;
	s7 =	ssub.s32 $0x2, s6;
	s9 =	smul.u32 $0x2710, s6  }
0xb: {  	s28 =	sshll.u32 s6, $0x3;
	p0 =	seq.s32 s6, $0x0;
	s25 =	sshrl.u32 s7, $0x1  }
0xc: {  	s4 =	sxor.u32 $0x8, s28;
	s12 =	ssub.s32 s7, s25;
	s26 =	sadd.s32 s8, s24  }
0xd: {  	s29 =	sadd.s32 s9, s24;
	s24 =	simm.s32 $0x0;
	s7 =	sshrl.u32 s26, $0x3  }
0xe: {  	s30 =	sshrl.u32 s29, $0x3;
	s31 =	sadd.s32 $0x1388, s29;
	s12 =	smax.u32 s12, $0x1  }
0xf: {  	v0 =	vlaneseq.u32;
	s5 =	sadd.s32 s0, s7;
	s6 =	sadd.s32 s2, s30;
	s13 =	sshrl.u32 s31, $0x3  }
0x10: {  	v1 =	vimm.s32 $0x8;
	v2 =	vadd.s32 $0x2718, v0;
	v3 =	vadd.s32 $0x6, v0;
	s7 =	sadd.s32 s10, s30;
	s8 =	sadd.s32 s11, s30;
	s9 =	sadd.s32 s2, s13  }
0x11: {  	v0 =	vpsel !p0, $0x2717, v1;
	v1 =	vpsel p0, v3, v2;
	v2 =	vimm.s32 $0x0;
	s10 =	sadd.s32 s10, s13;
	s11 =	sadd.s32 s11, s13;
	s13 =	simm.s32 $0x9C50  }
.LBB2_1:
0x12: {  	s0 =	rddreg [dreg:$0x1]  }
0x13: {  	[tilespmem:s13], [sflag:$0x4] =	stream.linear.gather [hbm4b:s0+s3], $0x10, $0x38;
	[tilespmem:$0x9C60] =	vst v63  }
0x14: {  	_ =	swait.ge [sflag:s14], $0x10  }
0x15: {  	[sflag:s14] =	ssyncset.done $0x0  }
0x16: {  	[sflag:s14] =	ssyncadd.s32 $0xFFFFFFF0  }
0x17: {  	[tilespmem:s4], [sflag:$0x4] =	stream.linear.gather [hbm4b:s5+s3], $0x2718, $0x38;
	[tilespmem:$0x9C60] =	vst v63  }
0x18: {  	_ =	swait.ge [sflag:s14], $0x2718  }
0x19: {  	[sflag:s14] =	ssyncset.done $0x0  }
0x1a: {  	[sflag:s14] =	ssyncadd.s32 $0xFFFFD8E8  }
0x1b: {  	v3 =	vld.idx.msk [tilespmem:v0+s3+$0x0], $0xffff;
	_ =	sdelay $0x4  }
0x1c: {  	[tilespmem:v1+s3+$0x0] =	vst.idx.msk $0x3, v3  }
0x1d: {  	v3 =	vld [tilespmem:$0x9C50];
	_ =	sdelay $0x4  }
0x1e: {  	v3 =	vsub.f32 $0.0e+00, v3;
	_ =	sdelay $0x1  }
0x1f: {  	v3 =	vmul.f32 $1.442695020e+00, v3;
	_ =	sdelay $0x1  }
0x20: {  	(erf) = vpow2.f32 v3;
	_ =	sdelay $0x8  }
0x21: {  	v3 =	vpop (erf)  }
0x22: {  	s26 =	simm.s32 $0x0;
	v3 =	vadd.f32 $1.000000000e+00, v3  }
0x23: {  	v4 =	vld [tilespmem:s26+$0x7]  }
0x24: {  	v5 =	vld [tilespmem:s26+$0x9];
	(erf) = vrcp.f32 v3  }
0x25: {  	v6 =	vld [tilespmem:s26+$0xA]  }
0x26: {  	v3 =	vld [tilespmem:s26+$0x6];
	_ =	sdelay $0x1  }
0x27: {  	s25 =	simm.s32 $0x10;
	v13 =	vld [tilespmem:s26+$0x8]  }
0x28: {  	v7 =	vld [tilespmem:s25+$0x6]  }
0x29: {  	v9 =	vld [tilespmem:s25+$0xA]  }
0x2a: {  	v5 =	vmax.f32 v5, v6;
	v6 =	vld [tilespmem:s25+$0x7];
	v4 =	vmax.f32 v3, v4  }
0x2b: {  	s28 =	simm.s32 $0x20;
	v4 =	vmax.f32 v4, v5;
	v5 =	vld [tilespmem:s25+$0x9]  }
0x2c: {  	v11 =	vld [tilespmem:s28+$0x6];
	v4 =	vmax.f32 v4, v13;
	v3 =	vpop (erf)  }
0x2d: {  	v10 =	vsub.f32 v4, v13;
	v4 =	vld [tilespmem:s25+$0x8];
	v8 =	vsub.f32 v3, v13  }
0x2e: {  	v14 =	vld [tilespmem:s28+$0x9]  }
0x2f: {  	v6 =	vmax.f32 v7, v6;
	v7 =	vld [tilespmem:s28+$0xA];
	v8 =	vmul.f32 $1.000000000e+01, v8  }
0x30: {  	v12 =	vld [tilespmem:s28+$0x7];
	v10 =	vmul.f32 $1.000000000e+01, v10;
	v5 =	vmax.f32 v5, v9  }
0x31: {  	v6 =	vmax.f32 v6, v5;
	v8 =	vmul.f32 $1.442695020e+00, v8  }
0x32: {  	v10 =	vmul.f32 $1.442695020e+00, v10;
	v5 =	vld [tilespmem:s28+$0x8];
	v6 =	vmax.f32 v6, v4  }
0x33: {  	s29 =	simm.s32 $0x30;
	v6 =	vsub.f32 v6, v4;
	(erf) = vpow2.f32 v8;
	v8 =	vsub.f32 v3, v4  }
0x34: {  	v7 =	vmax.f32 v14, v7;
	v9 =	vld [tilespmem:s29+$0x6];
	(erf) = vpow2.f32 v10  }
0x35: {  	v6 =	vmul.f32 $1.000000000e+01, v6;
	v10 =	vmax.f32 v11, v12;
	v11 =	vld [tilespmem:s29+$0x7];
	v8 =	vmul.f32 $1.000000000e+01, v8  }
0x36: {  	v7 =	vmax.f32 v10, v7;
	v10 =	vld [tilespmem:s29+$0x9]  }
0x37: {  	v14 =	vmul.f32 $1.442695020e+00, v6;
	v6 =	vmax.f32 v7, v5;
	v7 =	vld [tilespmem:s29+$0xA];
	v8 =	vmul.f32 $1.442695020e+00, v8  }
0x38: {  	s30 =	simm.s32 $0x40  }
0x39: {  	v15 =	vld [tilespmem:s30+$0x6];
	v12 =	vsub.f32 v3, v5;
	(erf) = vpow2.f32 v8  }
0x3a: {  	v8 =	vsub.f32 v6, v5;
	v6 =	vld [tilespmem:s29+$0x8];
	(erf) = vpow2.f32 v14  }
0x3b: {  	v17 =	vld [tilespmem:s30+$0x7];
	v12 =	vmul.f32 $1.000000000e+01, v12  }
0x3c: {  	v9 =	vmax.f32 v9, v11;
	v11 =	vld [tilespmem:s30+$0x9];
	v8 =	vmul.f32 $1.000000000e+01, v8;
	v7 =	vmax.f32 v10, v7;
	v14 =	vpop (erf)  }
0x3d: {  	v12 =	vmul.f32 $1.442695020e+00, v12;
	v10 =	vld [tilespmem:s30+$0xA];
	v9 =	vmax.f32 v9, v7;
	v16 =	vpop (erf)  }
0x3e: {  	v7 =	vld [tilespmem:s30+$0x8];
	v14 =	vadd.f32 $1.000000000e+00, v14;
	v8 =	vmul.f32 $1.442695020e+00, v8;
	v16 =	vadd.f32 $1.000000000e+00, v16  }
0x3f: {  	(erf) = vpow2.f32 v12;
	v9 =	vmax.f32 v9, v6  }
0x40: {  	(erf) = vpow2.f32 v8;
	v8 =	vsub.f32 v3, v6;
	v12 =	vmul.f32 v16, v14  }
0x41: {  	v15 =	vmax.f32 v15, v17;
	v9 =	vsub.f32 v9, v6  }
0x42: {  	s31 =	simm.s32 $0x50;
	v10 =	vmax.f32 v11, v10;
	v8 =	vmul.f32 $1.000000000e+01, v8;
	(erf) = vrcp.f32 v12;
	v14 =	vpop (erf)  }
0x43: {  	v18 =	vld [tilespmem:s31+$0x9];
	v9 =	vmul.f32 $1.000000000e+01, v9;
	v10 =	vmax.f32 v15, v10;
	v15 =	vsub.f32 v3, v7;
	v17 =	vpop (erf)  }
0x44: {  	v16 =	vld [tilespmem:s31+$0x7];
	v8 =	vmul.f32 $1.442695020e+00, v8;
	v11 =	vadd.f32 $1.000000000e+00, v14;
	v14 =	vadd.f32 $1.000000000e+00, v17  }
0x45: {  	v9 =	vmul.f32 $1.442695020e+00, v9;
	v17 =	vld [tilespmem:s31+$0xA]  }
0x46: {  	v12 =	vld [tilespmem:s31+$0x6];
	v10 =	vmax.f32 v10, v7;
	(erf) = vpow2.f32 v8;
	v11 =	vmul.f32 v14, v11  }
0x47: {  	(erf) = vpow2.f32 v9;
	v14 =	vsub.f32 v10, v7  }
0x48: {  	v9 =	vmul.f32 $1.000000000e+01, v15;
	v15 =	vpop (erf);
	(erf) = vrcp.f32 v11  }
0x49: {  	v8 =	vld [tilespmem:s31+$0x8]  }
0x4a: {  	s0 =	simm.s32 $0x60;
	v19 =	vpop (erf);
	v17 =	vmax.f32 v18, v17;
	v18 =	vmul.f32 $1.000000000e+01, v14  }
0x4b: {  	v10 =	vld [tilespmem:s0+$0x6];
	v16 =	vmax.f32 v12, v16;
	v9 =	vmul.f32 $1.442695020e+00, v9;
	v14 =	vpop (erf)  }
0x4c: {  	v12 =	vld [tilespmem:s0+$0x9];
	v20 =	vadd.f32 $1.000000000e+00, v15;
	v18 =	vmul.f32 $1.442695020e+00, v18;
	v21 =	vmul.f32 v14, v13  }
0x4d: {  	v11 =	vld [tilespmem:s0+$0x7];
	v19 =	vadd.f32 $1.000000000e+00, v19;
	v17 =	vmax.f32 v16, v17;
	(erf) = vpow2.f32 v9  }
0x4e: {  	v15 =	vsub.f32 v3, v8;
	v14 =	vld [tilespmem:s0+$0xA];
	(erf) = vpow2.f32 v18;
	vm0 =	vge.f32 v21, v3;
	[tilespmem:s26+$0x2720] =	vst v21  }
0x4f: {  	s2 =	simm.s32 $0x1C0;
	v16 =	vmul.f32 v19, v20;
	v17 =	vmax.f32 v17, v8;
	v9 =	vld [tilespmem:s0+$0x8];
	v13 =	vnsel vm0, $0x0, v13  }
.LBB2_2:
0x50: {  	_ = 	snop  }
0x51: {  	s1 =	sshra.s32 s2, $0x2;
	p0 =	sne.s32 s2, $0x4DC0;
	v15 =	vmul.f32 $1.000000000e+01, v15;
	v17 =	vsub.f32 v17, v8;
	v18 =	vpop (erf);
	[tilespmem:s26+$0x7540] =	vst v13;
	(erf) = vrcp.f32 v16  }
0x52: {  	v13 =	vmax.f32 v10, v11;
	v19 =	vsel vm0, $0x1, v2;
	v20 =	vmov v6;
	v10 =	vld [tilespmem:s1+$0x6];
	v16 =	vpop (erf)  }
.Ltmp0:
0x53: {  	v21 =	vmax.f32 v12, v14;
	v22 =	vmul.f32 $1.442695020e+00, v15;
	v17 =	vmul.f32 $1.000000000e+01, v17;
	v11 =	vld [tilespmem:s1+$0x7];
	v6 =	vpop (erf);
	[tilespmem:s26+$0x4E30] =	vst v19;
	s26 =	smov.u32 s25;
	s25 =	smov.u32 s28;
	(pc) =	sbr.rel @p0 .LBB2_2-.Ltmp0, $4  }
0x54: {  	v18 =	vadd.f32 $1.000000000e+00, v18;
	v16 =	vadd.f32 $1.000000000e+00, v16;
	s28 =	smov.u32 s29;
	s29 =	smov.u32 s30;
	s30 =	smov.u32 s31;
	v12 =	vld [tilespmem:s1+$0x9];
	v19 =	vmul.f32 v6, v4;
	v6 =	vmovc v7;
	v7 =	vmovc v8  }
0x55: {  	v13 =	vmax.f32 v13, v21;
	s31 =	smov.u32 s0;
	s0 =	smov.u32 s1;
	v15 =	vsub.f32 v3, v9;
	v21 =	vmul.f32 $1.442695020e+00, v17;
	v8 =	vmovc v9;
	v14 =	vld [tilespmem:s1+$0xA]  }
0x56: {  	v16 =	vmul.f32 v16, v18;
	(erf) = vpow2.f32 v22;
	vm0 =	vge.f32 v19, v3;
	[tilespmem:s26+$0x2720] =	vst v19  }
0x57: {  	s2 =	sadd.s32 $0x40, s2;
	v17 =	vmax.f32 v13, v8;
	v9 =	vld [tilespmem:s0+$0x8];
	(erf) = vpow2.f32 v21;
	v13 =	vnsel vm0, $0x0, v4;
	v4 =	vmovc v5;
	v5 =	vmovc v20  }
0x58: {  	_ =	sdelay $0x1  }
0x59: {  	v10 =	vmax.f32 v10, v11;
	v11 =	vmax.f32 v12, v14  }
0x5a: {  	v15 =	vmul.f32 $1.000000000e+01, v15;
	v17 =	vsub.f32 v17, v8;
	v10 =	vmax.f32 v10, v11  }
0x5b: {  	v10 =	vmax.f32 v10, v9  }
0x5c: {  	v12 =	vpop (erf);
	v14 =	vmul.f32 $1.442695020e+00, v15;
	v15 =	vmul.f32 $1.000000000e+01, v17;
	v10 =	vsub.f32 v10, v9  }
0x5d: {  	(erf) = vrcp.f32 v16;
	v12 =	vadd.f32 $1.000000000e+00, v12;
	v16 =	vsub.f32 v3, v9;
	v11 =	vpop (erf)  }
0x5e: {  	v15 =	vmul.f32 $1.442695020e+00, v15;
	v11 =	vadd.f32 $1.000000000e+00, v11;
	v10 =	vmul.f32 $1.000000000e+01, v10  }
0x5f: {  	(erf) = vpow2.f32 v14;
	v14 =	vmul.f32 $1.000000000e+01, v16  }
0x60: {  	v11 =	vmul.f32 v11, v12;
	v10 =	vmul.f32 $1.442695020e+00, v10  }
0x61: {  	(erf) = vpow2.f32 v15;
	v12 =	vmul.f32 $1.442695020e+00, v14  }
0x62: {  	(erf) = vrcp.f32 v11  }
0x63: {  	(erf) = vpow2.f32 v12  }
0x64: {  	(erf) = vpow2.f32 v10;
	v10 =	vpop (erf)  }
0x65: {  	v11 =	vpop (erf)  }
0x66: {  	v12 =	vpop (erf)  }
0x67: {  	v11 =	vadd.f32 $1.000000000e+00, v11;
	v12 =	vadd.f32 $1.000000000e+00, v12  }
0x68: {  	v14 =	vpop (erf)  }
0x69: {  	v15 =	vpop (erf);
	v11 =	vmul.f32 v12, v11  }
0x6a: {  	v10 =	vmul.f32 v10, v4;
	v15 =	vadd.f32 $1.000000000e+00, v15  }
0x6b: {  	[tilespmem:s26+$0x7540] =	vst v13;
	v13 =	vsel vm0, $0x1, v2;
	v12 =	vpop (erf);
	(erf) = vrcp.f32 v11  }
0x6c: {  	[tilespmem:s26+$0x4E30] =	vst v13;
	vm0 =	vge.f32 v10, v3;
	v16 =	vpop (erf);
	v12 =	vadd.f32 $1.000000000e+00, v12  }
0x6d: {  	[tilespmem:s25+$0x2720] =	vst v10;
	v4 =	vnsel vm0, $0x0, v4;
	v10 =	vmul.f32 v14, v5;
	v11 =	vpop (erf)  }
0x6e: {  	[tilespmem:s25+$0x7540] =	vst v4;
	v4 =	vsel vm0, $0x1, v2;
	v12 =	vmul.f32 v12, v15;
	v15 =	vpop (erf)  }
0x6f: {  	vm0 =	vge.f32 v10, v3;
	v11 =	vadd.f32 $1.000000000e+00, v11;
	v15 =	vadd.f32 $1.000000000e+00, v15  }
0x70: {  	[tilespmem:s25+$0x4E30] =	vst v4;
	v4 =	vnsel vm0, $0x0, v5;
	(erf) = vrcp.f32 v12  }
0x71: {  	[tilespmem:s28+$0x7540] =	vst v4;
	v4 =	vsel vm0, $0x1, v2;
	v11 =	vmul.f32 v15, v11  }
0x72: {  	v5 =	vmul.f32 v16, v6  }
0x73: {  	[tilespmem:s28+$0x2720] =	vst v10;
	(erf) = vrcp.f32 v11  }
0x74: {  	[tilespmem:s28+$0x4E30] =	vst v4;
	vm0 =	vge.f32 v5, v3;
	v4 =	vpop (erf)  }
0x75: {  	[tilespmem:s29+$0x2720] =	vst v5;
	v5 =	vnsel vm0, $0x0, v6;
	v4 =	vmul.f32 v4, v7  }
0x76: {  	[tilespmem:s29+$0x7540] =	vst v5;
	v5 =	vsel vm0, $0x1, v2  }
0x77: {  	[tilespmem:s29+$0x4E30] =	vst v5;
	vm0 =	vge.f32 v4, v3  }
0x78: {  	[tilespmem:s30+$0x2720] =	vst v4;
	v4 =	vnsel vm0, $0x0, v7  }
0x79: {  	v5 =	vpop (erf);
	[tilespmem:s30+$0x7540] =	vst v4;
	v4 =	vsel vm0, $0x1, v2  }
0x7a: {  	v5 =	vmul.f32 v5, v8;
	_ =	sdelay $0x1  }
0x7b: {  	[tilespmem:s30+$0x4E30] =	vst v4;
	vm0 =	vge.f32 v5, v3;
	v4 =	vpop (erf)  }
0x7c: {  	[tilespmem:s31+$0x2720] =	vst v5;
	v5 =	vnsel vm0, $0x0, v8;
	v4 =	vmul.f32 v4, v9  }
0x7d: {  	[tilespmem:s31+$0x7540] =	vst v5;
	v5 =	vsel vm0, $0x1, v2  }
0x7e: {  	[tilespmem:s31+$0x4E30] =	vst v5;
	vm0 =	vge.f32 v4, v3  }
0x7f: {  	[tilespmem:s0+$0x2720] =	vst v4;
	v4 =	vnsel vm0, $0x0, v9  }
0x80: {  	[tilespmem:s0+$0x7540] =	vst v4;
	v4 =	vsel vm0, $0x1, v2  }
0x81: {  	s26 =	simm.s32 $0x0;
	[tilespmem:s0+$0x4E30] =	vst v4  }
0x82: {  	[hbm4b:s6+s26] =	stream.linear.scatter [tilespmem:s15], [sflag:$0x1], $0x1388, $0x38;
	[tilespmem:$0x9C60] =	vst v63  }
0x83: {  	_ = 	snop  }
0x84: {  	[hbm4b:s7+s26] =	stream.linear.scatter [tilespmem:s16], [sflag:$0x2], $0x1388, $0x38;
	[tilespmem:$0x9C60] =	vst v63  }
0x85: {  	_ = 	snop  }
0x86: {  	[hbm4b:s8+s26] =	stream.linear.scatter [tilespmem:s17], [sflag:$0x3], $0x1388, $0x38;
	[tilespmem:$0x9C60] =	vst v63  }
0x87: {  	s26 =	simm.s32 $0x0  }
0x88: {  	v4 =	vld [tilespmem:s26+$0x1386]  }
0x89: {  	v5 =	vld [tilespmem:s26+$0x1387]  }
0x8a: {  	v6 =	vld [tilespmem:s26+$0x1389]  }
0x8b: {  	v7 =	vld [tilespmem:s26+$0x138A];
	_ =	sdelay $0x1  }
0x8c: {  	s25 =	simm.s32 $0x10;
	v13 =	vld [tilespmem:s26+$0x1388]  }
0x8d: {  	v8 =	vld [tilespmem:s25+$0x1386]  }
0x8e: {  	v9 =	vld [tilespmem:s25+$0x138A]  }
0x8f: {  	v4 =	vmax.f32 v4, v5;
	v5 =	vmax.f32 v6, v7;
	v6 =	vld [tilespmem:s25+$0x1387]  }
0x90: {  	s28 =	simm.s32 $0x20;
	v4 =	vmax.f32 v4, v5;
	v5 =	vld [tilespmem:s25+$0x1389]  }
0x91: {  	v11 =	vld [tilespmem:s28+$0x1386];
	v7 =	vsub.f32 v3, v13;
	v4 =	vmax.f32 v4, v13  }
0x92: {  	v10 =	vsub.f32 v4, v13;
	v4 =	vld [tilespmem:s25+$0x1388]  }
0x93: {  	v12 =	vld [tilespmem:s28+$0x1387];
	v7 =	vmul.f32 $1.000000000e+01, v7  }
0x94: {  	v14 =	vld [tilespmem:s28+$0x1389];
	v10 =	vmul.f32 $1.000000000e+01, v10  }
0x95: {  	v7 =	vmul.f32 $1.442695020e+00, v7;
	v6 =	vmax.f32 v8, v6;
	v8 =	vld [tilespmem:s28+$0x138A];
	v5 =	vmax.f32 v5, v9  }
0x96: {  	v10 =	vmul.f32 $1.442695020e+00, v10;
	v6 =	vmax.f32 v6, v5  }
0x97: {  	(erf) = vpow2.f32 v7;
	v5 =	vld [tilespmem:s28+$0x1388];
	v7 =	vsub.f32 v3, v4;
	v6 =	vmax.f32 v6, v4  }
0x98: {  	s29 =	simm.s32 $0x30;
	(erf) = vpow2.f32 v10;
	v6 =	vsub.f32 v6, v4  }
0x99: {  	v9 =	vld [tilespmem:s29+$0x1386];
	v7 =	vmul.f32 $1.000000000e+01, v7  }
0x9a: {  	v10 =	vmax.f32 v11, v12;
	v11 =	vld [tilespmem:s29+$0x1387];
	v8 =	vmax.f32 v14, v8;
	v6 =	vmul.f32 $1.000000000e+01, v6  }
0x9b: {  	v8 =	vmax.f32 v10, v8;
	v10 =	vld [tilespmem:s29+$0x1389];
	v7 =	vmul.f32 $1.442695020e+00, v7  }
0x9c: {  	v14 =	vmul.f32 $1.442695020e+00, v6;
	v6 =	vmax.f32 v8, v5;
	v8 =	vld [tilespmem:s29+$0x138A]  }
0x9d: {  	v12 =	vsub.f32 v3, v5;
	(erf) = vpow2.f32 v7  }
0x9e: {  	s30 =	simm.s32 $0x40;
	v7 =	vsub.f32 v6, v5;
	v6 =	vld [tilespmem:s29+$0x1388];
	(erf) = vpow2.f32 v14  }
0x9f: {  	v15 =	vld [tilespmem:s30+$0x1386];
	v12 =	vmul.f32 $1.000000000e+01, v12  }
0xa0: {  	v17 =	vld [tilespmem:s30+$0x1387];
	v9 =	vmax.f32 v9, v11;
	v7 =	vmul.f32 $1.000000000e+01, v7;
	v14 =	vpop (erf)  }
0xa1: {  	v11 =	vld [tilespmem:s30+$0x1389];
	v12 =	vmul.f32 $1.442695020e+00, v12;
	v16 =	vpop (erf);
	v14 =	vadd.f32 $1.000000000e+00, v14;
	v8 =	vmax.f32 v10, v8  }
0xa2: {  	v7 =	vmul.f32 $1.442695020e+00, v7;
	v10 =	vld [tilespmem:s30+$0x138A];
	v16 =	vadd.f32 $1.000000000e+00, v16;
	v8 =	vmax.f32 v9, v8  }
0xa3: {  	(erf) = vpow2.f32 v12;
	v9 =	vsub.f32 v3, v6;
	v8 =	vmax.f32 v8, v6  }
0xa4: {  	(erf) = vpow2.f32 v7;
	v7 =	vld [tilespmem:s30+$0x1388];
	v12 =	vmul.f32 v16, v14;
	v8 =	vsub.f32 v8, v6  }
0xa5: {  	v9 =	vmul.f32 $1.000000000e+01, v9  }
0xa6: {  	s31 =	simm.s32 $0x50;
	(erf) = vrcp.f32 v12;
	v14 =	vpop (erf);
	v8 =	vmul.f32 $1.000000000e+01, v8  }
0xa7: {  	v18 =	vld [tilespmem:s31+$0x1389];
	v15 =	vmax.f32 v15, v17;
	v10 =	vmax.f32 v11, v10;
	v9 =	vmul.f32 $1.442695020e+00, v9;
	v17 =	vpop (erf)  }
0xa8: {  	v16 =	vld [tilespmem:s31+$0x1387];
	v11 =	vadd.f32 $1.000000000e+00, v14;
	v14 =	vadd.f32 $1.000000000e+00, v17;
	v19 =	vmul.f32 $1.442695020e+00, v8  }
0xa9: {  	v12 =	vld [tilespmem:s31+$0x1386];
	v10 =	vmax.f32 v15, v10;
	v15 =	vsub.f32 v3, v7  }
0xaa: {  	v17 =	vld [tilespmem:s31+$0x138A];
	(erf) = vpow2.f32 v9;
	v9 =	vmul.f32 v14, v11  }
0xab: {  	v10 =	vmax.f32 v10, v7;
	(erf) = vpow2.f32 v19;
	v14 =	vmul.f32 $1.000000000e+01, v15  }
0xac: {  	v8 =	vld [tilespmem:s31+$0x1388];
	v15 =	vsub.f32 v10, v7;
	v19 =	vpop (erf);
	(erf) = vrcp.f32 v9;
	_ =	sdelay $0x1  }
0xad: {  	s0 =	simm.s32 $0x60;
	v9 =	vmax.f32 v12, v16;
	v20 =	vmul.f32 $1.000000000e+01, v15;
	v16 =	vpop (erf)  }
0xae: {  	v10 =	vld [tilespmem:s0+$0x1386];
	v17 =	vmax.f32 v18, v17;
	v18 =	vmul.f32 $1.442695020e+00, v14;
	v14 =	vpop (erf)  }
0xaf: {  	v11 =	vld [tilespmem:s0+$0x1387];
	v19 =	vadd.f32 $1.000000000e+00, v19;
	v20 =	vmul.f32 $1.442695020e+00, v20;
	v21 =	vmul.f32 v14, v13  }
0xb0: {  	v12 =	vld [tilespmem:s0+$0x1389];
	v15 =	vsub.f32 v3, v8;
	v16 =	vadd.f32 $1.000000000e+00, v16;
	(erf) = vpow2.f32 v18  }
0xb1: {  	v17 =	vmax.f32 v9, v17;
	v14 =	vld [tilespmem:s0+$0x138A];
	(erf) = vpow2.f32 v20;
	vm0 =	vge.f32 v21, v3;
	[tilespmem:s26+$0x3AA0] =	vst v21  }
0xb2: {  	s2 =	simm.s32 $0x1C0;
	v17 =	vmax.f32 v17, v8;
	v16 =	vmul.f32 v16, v19;
	v9 =	vld [tilespmem:s0+$0x1388];
	v13 =	vnsel vm0, $0x0, v13  }
.LBB2_4:
0xb3: {  	_ = 	snop  }
0xb4: {  	s1 =	sshra.s32 s2, $0x2;
	p0 =	sne.s32 s2, $0x4E00;
	v15 =	vmul.f32 $1.000000000e+01, v15;
	v17 =	vsub.f32 v17, v8;
	v18 =	vpop (erf);
	[tilespmem:s26+$0x88C0] =	vst v13;
	(erf) = vrcp.f32 v16  }
0xb5: {  	v13 =	vmax.f32 v10, v11;
	v19 =	vsel vm0, $0x1, v2;
	v20 =	vmov v6;
	v10 =	vld [tilespmem:s1+$0x1386];
	v16 =	vpop (erf)  }
.Ltmp1:
0xb6: {  	v21 =	vmax.f32 v12, v14;
	v22 =	vmul.f32 $1.442695020e+00, v15;
	v17 =	vmul.f32 $1.000000000e+01, v17;
	v11 =	vld [tilespmem:s1+$0x1387];
	v6 =	vpop (erf);
	[tilespmem:s26+$0x61B0] =	vst v19;
	s26 =	smov.u32 s25;
	s25 =	smov.u32 s28;
	(pc) =	sbr.rel @p0 .LBB2_4-.Ltmp1, $4  }
0xb7: {  	v18 =	vadd.f32 $1.000000000e+00, v18;
	v16 =	vadd.f32 $1.000000000e+00, v16;
	s28 =	smov.u32 s29;
	s29 =	smov.u32 s30;
	s30 =	smov.u32 s31;
	v12 =	vld [tilespmem:s1+$0x1389];
	v19 =	vmul.f32 v6, v4;
	v6 =	vmovc v7;
	v7 =	vmovc v8  }
0xb8: {  	v13 =	vmax.f32 v13, v21;
	s31 =	smov.u32 s0;
	s0 =	smov.u32 s1;
	v15 =	vsub.f32 v3, v9;
	v21 =	vmul.f32 $1.442695020e+00, v17;
	v8 =	vmovc v9;
	v14 =	vld [tilespmem:s1+$0x138A]  }
0xb9: {  	v16 =	vmul.f32 v16, v18;
	(erf) = vpow2.f32 v22;
	vm0 =	vge.f32 v19, v3;
	[tilespmem:s26+$0x3AA0] =	vst v19  }
0xba: {  	s2 =	sadd.s32 $0x40, s2;
	v17 =	vmax.f32 v13, v8;
	v9 =	vld [tilespmem:s0+$0x1388];
	(erf) = vpow2.f32 v21;
	v13 =	vnsel vm0, $0x0, v4;
	v4 =	vmovc v5;
	v5 =	vmovc v20  }
0xbb: {  	_ = 	snop  }
0xbc: {  	v15 =	vmul.f32 $1.000000000e+01, v15;
	v17 =	vsub.f32 v17, v8  }
0xbd: {  	(erf) = vrcp.f32 v16;
	v10 =	vmax.f32 v10, v11;
	v31 =	vmax.f32 v12, v14  }
0xbe: {  	v32 =	vpop (erf);
	v33 =	vmul.f32 $1.442695020e+00, v15;
	v34 =	vmul.f32 $1.000000000e+01, v17;
	v10 =	vmax.f32 v10, v31  }
0xbf: {  	v35 =	vpop (erf);
	v12 =	vadd.f32 $1.000000000e+00, v32;
	v36 =	vsub.f32 v3, v9;
	v10 =	vmax.f32 v10, v9  }
0xc0: {  	v11 =	vadd.f32 $1.000000000e+00, v35;
	v15 =	vmul.f32 $1.442695020e+00, v34;
	v10 =	vsub.f32 v10, v9  }
0xc1: {  	(erf) = vpow2.f32 v33;
	v37 =	vmul.f32 $1.000000000e+01, v36  }
0xc2: {  	v11 =	vmul.f32 v11, v12;
	v10 =	vmul.f32 $1.000000000e+01, v10  }
0xc3: {  	(erf) = vpow2.f32 v15;
	v38 =	vmul.f32 $1.442695020e+00, v37  }
0xc4: {  	(erf) = vrcp.f32 v11;
	v10 =	vmul.f32 $1.442695020e+00, v10  }
0xc5: {  	(erf) = vpow2.f32 v38  }
0xc6: {  	(erf) = vpow2.f32 v10  }
0xc7: {  	v39 =	vpop (erf)  }
0xc8: {  	v40 =	vpop (erf)  }
0xc9: {  	v41 =	vpop (erf)  }
0xca: {  	v11 =	vadd.f32 $1.000000000e+00, v40;
	v42 =	vpop (erf);
	v12 =	vadd.f32 $1.000000000e+00, v41  }
0xcb: {  	v43 =	vpop (erf)  }
0xcc: {  	v11 =	vmul.f32 v12, v11;
	v44 =	vpop (erf)  }
0xcd: {  	v15 =	vadd.f32 $1.000000000e+00, v43;
	v45 =	vpop (erf);
	v12 =	vadd.f32 $1.000000000e+00, v44  }
0xce: {  	(erf) = vrcp.f32 v11;
	v46 =	vpop (erf)  }
0xcf: {  	v10 =	vmul.f32 v39, v4;
	v12 =	vmul.f32 v12, v15;
	v47 =	vpop (erf)  }
0xd0: {  	[tilespmem:s26+$0x88C0] =	vst v13;
	v48 =	vsel vm0, $0x1, v2;
	v11 =	vadd.f32 $1.000000000e+00, v46;
	v15 =	vadd.f32 $1.000000000e+00, v47  }
0xd1: {  	[tilespmem:s26+$0x61B0] =	vst v48;
	vm10 =	vge.f32 v10, v3;
	(erf) = vrcp.f32 v12  }
0xd2: {  	v50 =	vmul.f32 v42, v5;
	[tilespmem:s25+$0x3AA0] =	vst v10;
	v49 =	vnsel vm10, $0x0, v4;
	v11 =	vmul.f32 v15, v11  }
0xd3: {  	v51 =	vsel vm10, $0x1, v2;
	[tilespmem:s25+$0x88C0] =	vst v49  }
0xd4: {  	vm11 =	vge.f32 v50, v3;
	[tilespmem:s25+$0x61B0] =	vst v51;
	(erf) = vrcp.f32 v11  }
0xd5: {  	v52 =	vnsel vm11, $0x0, v5;
	[tilespmem:s28+$0x3AA0] =	vst v50;
	v53 =	vmul.f32 v45, v6  }
0xd6: {  	v54 =	vsel vm11, $0x1, v2;
	[tilespmem:s28+$0x88C0] =	vst v52  }
0xd7: {  	[tilespmem:s28+$0x61B0] =	vst v54;
	vm12 =	vge.f32 v53, v3;
	v55 =	vpop (erf)  }
0xd8: {  	[tilespmem:s29+$0x3AA0] =	vst v53;
	v56 =	vnsel vm12, $0x0, v6;
	v4 =	vmul.f32 v55, v7  }
0xd9: {  	v57 =	vsel vm12, $0x1, v2;
	[tilespmem:s29+$0x88C0] =	vst v56  }
0xda: {  	[tilespmem:s29+$0x61B0] =	vst v57;
	vm13 =	vge.f32 v4, v3;
	v58 =	vpop (erf)  }
0xdb: {  	[tilespmem:s30+$0x3AA0] =	vst v4;
	v59 =	vnsel vm13, $0x0, v7;
	v5 =	vmul.f32 v58, v8  }
0xdc: {  	v60 =	vsel vm13, $0x1, v2;
	[tilespmem:s30+$0x88C0] =	vst v59  }
0xdd: {  	[tilespmem:s30+$0x61B0] =	vst v60;
	vm14 =	vge.f32 v5, v3;
	v61 =	vpop (erf)  }
0xde: {  	[tilespmem:s31+$0x3AA0] =	vst v5;
	v62 =	vnsel vm14, $0x0, v8;
	v4 =	vmul.f32 v61, v9  }
0xdf: {  	v63 =	vsel vm14, $0x1, v2;
	[tilespmem:s31+$0x88C0] =	vst v62  }
0xe0: {  	[tilespmem:s31+$0x61B0] =	vst v63;
	vm15 =	vge.f32 v4, v3  }
0xe1: {  	[tilespmem:s0+$0x3AA0] =	vst v4;
	v3 =	vnsel vm15, $0x0, v9  }
0xe2: {  	[tilespmem:s0+$0x88C0] =	vst v3;
	v3 =	vsel vm15, $0x1, v2  }
0xe3: {  	[tilespmem:s0+$0x61B0] =	vst v3  }
0xe4: {  	_ =	swait.ge [sflag:s18], $0x1388  }
0xe5: {  	[sflag:s18] =	ssyncset.done $0x0  }
0xe6: {  	[sflag:s18] =	ssyncadd.s32 $0xFFFFEC78  }
0xe7: {  	_ =	swait.ge [sflag:s19], $0x1388  }
0xe8: {  	[sflag:s19] =	ssyncset.done $0x0  }
0xe9: {  	[sflag:s19] =	ssyncadd.s32 $0xFFFFEC78  }
0xea: {  	_ =	swait.ge [sflag:s20], $0x1388  }
0xeb: {  	[sflag:s20] =	ssyncset.done $0x0  }
0xec: {  	[sflag:s20] =	ssyncadd.s32 $0xFFFFEC78  }
0xed: {  	[hbm4b:s9+s3] =	stream.linear.scatter [tilespmem:s21], [sflag:$0x4], $0x1388, $0x38;
	[tilespmem:$0x9C60] =	vst v63  }
0xee: {  	_ =	swait.ge [sflag:s14], $0x1388  }
0xef: {  	[sflag:s14] =	ssyncset.done $0x0  }
0xf0: {  	[sflag:s14] =	ssyncadd.s32 $0xFFFFEC78  }
0xf1: {  	[hbm4b:s10+s3] =	stream.linear.scatter [tilespmem:s22], [sflag:$0x4], $0x1388, $0x38;
	[tilespmem:$0x9C60] =	vst v63  }
0xf2: {  	s24 =	sadd.s32 $0x1, s24;
	_ =	swait.ge [sflag:s14], $0x1388  }
0xf3: {  	p0 =	sne.s32 s24, s12;
	[sflag:s14] =	ssyncset.done $0x0  }
.Ltmp2:
0xf4: {  	[sflag:s14] =	ssyncadd.s32 $0xFFFFEC78;
	(pc) =	sbr.rel @p0 .LBB2_1-.Ltmp2, $4  }
0xf5: {  	[hbm4b:s11+s3] =	stream.linear.scatter [tilespmem:s23], [sflag:$0x4], $0x1388, $0x38;
	[tilespmem:$0x9C60] =	vst v63  }
0xf6: {  	_ =	swait.ge [sflag:s14], $0x1388  }
0xf7: {  	[sflag:s14] =	ssyncset.done $0x0  }
0xf8: {  	[sflag:s14] =	ssyncadd.s32 $0xFFFFEC78  }
0xf9: {  	_ =	sfence.sel $0x180000  }
0xfa: {  	[bflag:$0x0] =	sbarrier.arrive $0xFFFF  }
0xfb: {  	_ =	strace $0x90000047  }
0xfc: {  	s0 =	stileid.u32;
	[bflag:$0x2] =	sbarrier.arrive $0xFFFF  }
0xfd: {  	p0 =	sne.s32 s0, $0x0;
	s0 =	rddreg [dreg:$0x4]  }
0xfe: {  	s0 =	sadd.s32 @!p0 $0x100000, s0  }
0xff: {  	[sflag:s0] =	ssyncadd.tile.s32 @!p0 $0x1;
	_ =	shalt  }
.Lfunc_end2:
_tile_overlayer_lowered:
.L_overlay_start_2:
0x100: {  	(tag) =	ssettag $0x2  }
0x101: {  	s0 =	rddreg [dreg:$0x0];
	s2 =	stileid.u32  }
0x102: {  	s1 =	rddreg [dreg:$0x1];
	p0 =	sne.s32 s2, $0x0  }
0x103: {  	s3 =	rddreg [dreg:$0x2];
	[bflag:$0x3] =	sbarrier.arrive $0xFFFF;
	s2 =	simm.s32 @!p0 $0x1C04  }
0x104: {  	[timem:s3], [sflag:s2] =	dma.local @!p0 [hbm:s0], s1  }
0x105: {  	s0 =	simm.s32 @!p0 $0x4  }
0x106: {  	_ =	swait.ge @!p0 [sflag:s0], s1  }
0x107: {  	s1 =	ssub.s32 @!p0 $0x0, s1;
	[sflag:s0] =	ssyncset.done @!p0 $0x0  }
0x108: {  	[sflag:s0] =	ssyncadd.s32 @!p0 s1  }
0x109: {  	[bflag:$0x3] =	sbarrier.arrive $0xFFFF  }
0x10a: {  	_ =	shalt  }

</sc_bundles>
